<compile_context>
chip_gen: v7x
topology: tpu7x:2x2x1
jax: 0.10.2.dev20260603
libtpu: 0.0.44.dev20260713+nightly
codegen_flags: <defaults>
</compile_context>

<pallas_src>
import functools

import jax
import jax.numpy as jnp
from jax import lax
from jax.experimental import pallas as pl
from jax.experimental.pallas import tpu as pltpu
from jax.experimental.pallas import tpu_sc as plsc

N = 2048
K = 8
OUT_PER = 8
BR = 128
NC = 2
NS = 16
NW = NC * NS
TC_ROWS = 640
SC_ROWS = N - TC_ROWS
SC_RPW = SC_ROWS // NW
CHUNKS = N // 16
QI = 4
INF = float("inf")


def _sc_body(x1h, y1h, x2h, y2h, wth, bth, outh,
             x1v, y1v, x2v, y2v, vxv, vyv, wtv, btv, fbuf, outv):
    wid = lax.axis_index("s") * NC + lax.axis_index("c")
    base_row = TC_ROWS + wid * SC_RPW

    pltpu.sync_copy(x1h, x1v)
    pltpu.sync_copy(y1h, y1v)
    pltpu.sync_copy(x2h, x2v)
    pltpu.sync_copy(y2h, y2v)
    pltpu.sync_copy(wth, wtv)
    pltpu.sync_copy(bth, btv)

    io = lax.iota(jnp.int32, 16)
    khalf = lax.shift_right_logical(io, 3)

    def _vel(c, carry):
        s = pl.ds(c * 16, 16)
        vxv[s] = x2v[s] - x1v[s]
        vyv[s] = y2v[s] - y1v[s]
        return carry
    lax.fori_loop(0, CHUNKS, _vel, 0)

    btile = btv[...]
    w0 = wtv[0, :]
    w1 = wtv[1, :]
    w2 = wtv[2, :]
    w3 = wtv[3, :]

    def _post(a, xi, yi, vxi, vyi, bv):
        gx = plsc.load_gather(x2v, [bv])
        gy = plsc.load_gather(y2v, [bv])
        gvx = plsc.load_gather(vxv, [bv])
        gvy = plsc.load_gather(vyv, [bv])
        fbuf[pl.ds(0, 16)] = gx - xi
        fbuf[pl.ds(16, 16)] = gy - yi
        fbuf[pl.ds(32, 16)] = gvx - vxi
        fbuf[pl.ds(48, 16)] = gvy - vyi

        for g in range(4):
            sel = khalf + (2 * g)
            acc = btile
            acc = acc + plsc.load_gather(fbuf, [sel]) * w0
            acc = acc + plsc.load_gather(fbuf, [sel + 16]) * w1
            acc = acc + plsc.load_gather(fbuf, [sel + 32]) * w2
            acc = acc + plsc.load_gather(fbuf, [sel + 48]) * w3
            outv[a, pl.ds(g * 16, 16)] = jnp.maximum(acc, 0.0)

    def _agent_group(p, carry):
        ags = [p * QI + q for q in range(QI)]
        ivs = [jnp.full((16,), base_row + a, jnp.int32) for a in ags]
        xis = [plsc.load_gather(x2v, [iv]) for iv in ivs]
        yis = [plsc.load_gather(y2v, [iv]) for iv in ivs]
        vxis = [plsc.load_gather(vxv, [iv]) for iv in ivs]
        vyis = [plsc.load_gather(vyv, [iv]) for iv in ivs]

        def _chunk(c, bkv):
            s = pl.ds(c * 16, 16)
            civ = io + c * 16
            xs = x2v[s]
            ys = y2v[s]
            nxt = []
            for q in range(QI):
                bk, bvv = bkv[2 * q], bkv[2 * q + 1]
                dx = xs - xis[q]
                dy = ys - yis[q]
                d = dx * dx + dy * dy
                d = jnp.where(civ == ivs[q], INF, d)
                ck, cw = plsc.sort_key_val(d, civ)
                rk = lax.rev(ck, (0,))
                rv = lax.rev(cw, (0,))
                m = bk <= rk
                nk, nv = plsc.sort_key_val(
                    jnp.where(m, bk, rk), jnp.where(m, bvv, rv))
                nxt += [nk, nv]
            return tuple(nxt)

        inf16 = jnp.full((16,), INF, jnp.float32)
        z16 = jnp.zeros((16,), jnp.int32)
        res = lax.fori_loop(0, CHUNKS, _chunk, (inf16, z16) * QI)
        for q in range(QI):
            _post(ags[q], xis[q], yis[q], vxis[q], vyis[q], res[2 * q + 1])
        return carry

    lax.fori_loop(0, SC_RPW // QI, _agent_group, 0)

    pltpu.sync_copy(outv, outh.at[pl.ds(wid * SC_RPW, SC_RPW)])


def _sc_run(x1, y1, x2, y2, W, b):
    wt = jnp.tile(W.T, (1, 2))
    bt = jnp.tile(b, 2)
    mesh = plsc.VectorSubcoreMesh(
        core_axis_name="c", subcore_axis_name="s",
        num_cores=NC, num_subcores=NS)
    kern = functools.partial(
        pl.kernel,
        out_type=jax.ShapeDtypeStruct((SC_ROWS, K * OUT_PER), jnp.float32),
        mesh=mesh,
        compiler_params=pltpu.CompilerParams(
            use_tc_tiling_on_sc=False, needs_layout_passes=False),
        scratch_types=[
            pltpu.VMEM((N,), jnp.float32),
            pltpu.VMEM((N,), jnp.float32),
            pltpu.VMEM((N,), jnp.float32),
            pltpu.VMEM((N,), jnp.float32),
            pltpu.VMEM((N,), jnp.float32),
            pltpu.VMEM((N,), jnp.float32),
            pltpu.VMEM((4, 16), jnp.float32),
            pltpu.VMEM((16,), jnp.float32),
            pltpu.VMEM((64,), jnp.float32),
            pltpu.VMEM((SC_RPW, K * OUT_PER), jnp.float32),
        ],
    )(_sc_body)
    return kern(x1, y1, x2, y2, wt, bt)


def _tc_body(x1r, y1r, x2c, y2c, x2r, y2r, wt, b2, out_ref):
    i = pl.program_id(0)
    base = i * BR

    col = lax.broadcasted_iota(jnp.int32, (BR, N), 1)
    row = base + lax.broadcasted_iota(jnp.int32, (BR, N), 0)

    relx = x2r[...] - x2c[...]
    rely = y2r[...] - y2c[...]
    dist = jnp.sqrt(relx * relx + rely * rely)
    dist = jnp.where(col == row, jnp.inf, dist)

    vxr = x2r[...] - x1r[...]
    vyr = y2r[...] - y1r[...]
    ptab = jnp.concatenate([x2r[...], y2r[...], vxr, vyr], axis=0).T

    rowhot = (col == row).astype(jnp.float32)
    self4 = jnp.dot(rowhot, ptab, preferred_element_type=jnp.float32)

    for k in range(K):
        idx = jnp.argmin(dist, axis=1).astype(jnp.int32).reshape(BR, 1)
        onehot = (col == idx).astype(jnp.float32)
        feats = jnp.dot(onehot, ptab, preferred_element_type=jnp.float32)
        rel = feats - self4
        emb = jnp.maximum(
            jnp.dot(rel, wt[...], preferred_element_type=jnp.float32)
            + b2[...], 0.0)
        out_ref[:, k * OUT_PER:(k + 1) * OUT_PER] = emb
        if k != K - 1:
            dist = jnp.where(col == idx, jnp.inf, dist)


def _tc_run(x1, y1, x2, y2, W, b):
    x1r = x1.reshape(1, N)
    y1r = y1.reshape(1, N)
    x2r = x2.reshape(1, N)
    y2r = y2.reshape(1, N)
    x2c = x2.reshape(N, 1)
    y2c = y2.reshape(N, 1)
    wt = W.T
    b2 = b.reshape(1, OUT_PER)

    grid = (TC_ROWS // BR,)
    full_row = pl.BlockSpec((1, N), lambda i: (0, 0))
    col_blk = pl.BlockSpec((BR, 1), lambda i: (i, 0))
    return pl.pallas_call(
        _tc_body,
        grid=grid,
        in_specs=[
            full_row, full_row,
            col_blk, col_blk,
            full_row, full_row,
            pl.BlockSpec((4, OUT_PER), lambda i: (0, 0)),
            pl.BlockSpec((1, OUT_PER), lambda i: (0, 0)),
        ],
        out_specs=pl.BlockSpec((BR, K * OUT_PER), lambda i: (i, 0)),
        out_shape=jax.ShapeDtypeStruct((TC_ROWS, K * OUT_PER), jnp.float32),
    )(x1r, y1r, x2c, y2c, x2r, y2r, wt, b2)


@jax.jit
def _run(obs1, obs2, W, b):
    x1 = obs1[:, 0]
    y1 = obs1[:, 1]
    x2 = obs2[:, 0]
    y2 = obs2[:, 1]
    sc_out = _sc_run(x1, y1, x2, y2, W, b)
    tc_out = _tc_run(x1, y1, x2, y2, W, b)
    return jnp.concatenate([tc_out, sc_out], axis=0)


def kernel(_, obs1, obs2, W, b):
    return _run(obs1, obs2, W, b)

# --- scband reference (transcript-rebuilt; emitter-appended) ---
"""Pipeline reference for scband-nn-pooling-46634754900232 (READ-ONLY COPY).

The authoritative reference and input builder live on the scoring server;
editing this copy changes nothing except your own understanding.
"""

import jax, jax.numpy as jnp
import numpy as np

N = 2048
K = 8          # init n (neighbours kept)
OUT_DIM = 64   # init out_dim
OUT_PER = OUT_DIM // K  # 8
IN_DIM = 4     # no_vel=False -> [rel_pos(2), rel_vel(2)]


def setup_inputs(seed: int = 0) -> dict:
    key = jax.random.key(seed)
    k1, k2, k3, k4 = jax.random.split(key, 4)
    obs1 = jax.random.normal(k1, (N, 2), dtype=jnp.float32)
    obs2 = jax.random.normal(k2, (N, 2), dtype=jnp.float32)
    # torch.nn.Linear(4, out_dim//n): weight [out, in], bias [out]
    W = jax.random.normal(k3, (OUT_PER, IN_DIM), dtype=jnp.float32) * 0.5
    b = jax.random.normal(k4, (OUT_PER,), dtype=jnp.float32) * 0.1
    return {"_": jnp.zeros((1,), dtype=jnp.float32), "obs1": obs1, "obs2": obs2, "W": W, "b": b}


def reference(_, obs1, obs2, W, b):
    n = obs2.shape[0]
    vel = obs2 - obs1
    # one_cold ordering: row i keeps indices [0..i-1, i+1..n-1]
    j = jnp.arange(n - 1)[None, :]
    i = jnp.arange(n)[:, None]
    other_idx = j + (j >= i).astype(jnp.int32)              # [n, n-1]
    # rel_position[i] = obs2[others] - obs2[i]
    rel_position = obs2[other_idx] - obs2[:, None, :]        # [n, n-1, 2]
    # rel_directional: relative[i, j] = vel[j] - vel[i], diagonal removed row-wise
    vel_rel = vel[None, :, :] - vel[:, None, :]              # [n, n, 2]
    rel_direction = jnp.take_along_axis(vel_rel, other_idx[:, :, None], axis=1)  # [n, n-1, 2]
    # top-k nearest by euclidean distance (torch.topk(-dist, k))
    dist = jnp.linalg.norm(rel_position, axis=-1)            # [n, n-1]
    _negd, idx = jax.lax.top_k(-dist, K)                     # [n, K]
    nearest_pos = jnp.take_along_axis(rel_position, idx[:, :, None], axis=1)   # [n, K, 2]
    nearest_vel = jnp.take_along_axis(rel_direction, idx[:, :, None], axis=1)  # [n, K, 2]
    nearest = jnp.concatenate([nearest_pos, nearest_vel], axis=-1)             # [n, K, 4]
    emb = jnp.maximum(jnp.einsum('nki,oi->nko', nearest, W) + b, 0.0)          # [n, K, OUT_PER]
    return emb.reshape(n, -1)                                # [n, OUT_DIM]

if __name__ == "__main__":
    import jax
    _d = setup_inputs()
    print(jax.jit(kernel)(*tuple(_d.values())))

</pallas_src>

<mosaic_0001>
#map = affine_map<(d0, d1) -> (0)>
#map1 = affine_map<(d0, d1) -> (0, 0)>
module attributes {stable_mosaic.version = 14 : i64} {
  func.func @_sc_body(%arg0: i32, %arg1: i32, %arg2: memref<2048xf32, #tpu.memory_space<hbm>>, %arg3: memref<2048xf32, #tpu.memory_space<hbm>>, %arg4: memref<2048xf32, #tpu.memory_space<hbm>>, %arg5: memref<2048xf32, #tpu.memory_space<hbm>>, %arg6: memref<4x16xf32, #tpu.memory_space<hbm>>, %arg7: memref<16xf32, #tpu.memory_space<hbm>>, %arg8: memref<1408x64xf32, #tpu.memory_space<hbm>>, %arg9: memref<2048xf32, #tpu.memory_space<vmem>>, %arg10: memref<2048xf32, #tpu.memory_space<vmem>>, %arg11: memref<2048xf32, #tpu.memory_space<vmem>>, %arg12: memref<2048xf32, #tpu.memory_space<vmem>>, %arg13: memref<2048xf32, #tpu.memory_space<vmem>>, %arg14: memref<2048xf32, #tpu.memory_space<vmem>>, %arg15: memref<4x16xf32, #tpu.memory_space<vmem>>, %arg16: memref<16xf32, #tpu.memory_space<vmem>>, %arg17: memref<64xf32, #tpu.memory_space<vmem>>, %arg18: memref<44x64xf32, #tpu.memory_space<vmem>>) attributes {dimension_semantics = [#tpu.dimension_semantics<core_parallel>, #tpu.dimension_semantics<subcore_parallel>], iteration_bounds = array<i64: 2, 16>, scalar_prefetch = 0 : i64, scratch_operands = 10 : i64, tpu.core_type = #tpu.core_type<sc_vector_subcore>, window_params = [{transform_indices = #map}, {transform_indices = #map}, {transform_indices = #map}, {transform_indices = #map}, {transform_indices = #map1}, {transform_indices = #map}, {transform_indices = #map1}]} {
    %mul3A = arith.constant 2 : i32
    %mul3A_0 = arith.muli %arg1, %mul3A : i32
    %add3A = arith.addi %mul3A_0, %arg0 : i32
    %mul3A_1 = arith.constant 44 : i32
    %mul3A_2 = arith.muli %add3A, %mul3A_1 : i32
    %add3A_3 = arith.constant 640 : i32
    %add3A_4 = arith.addi %add3A_3, %mul3A_2 : i32
    "tpu.region"() ({
      %run_scoped3A = tpu.sem_alloc : memref<!tpu.dma_semaphore, #tpu.memory_space<semaphore_mem>>
      tpu.enqueue_dma source(%arg2 : memref<2048xf32, #tpu.memory_space<hbm>>) target(%arg9 : memref<2048xf32, #tpu.memory_space<vmem>>) target_semaphore(%run_scoped3A : memref<!tpu.dma_semaphore, #tpu.memory_space<semaphore_mem>>)
      tpu.wait_dma2 semaphore(%run_scoped3A : memref<!tpu.dma_semaphore, #tpu.memory_space<semaphore_mem>>) src(%arg2 : memref<2048xf32, #tpu.memory_space<hbm>>) dst(%arg9 : memref<2048xf32, #tpu.memory_space<vmem>>)
      tpu.yield
    }) : () -> ()
    "tpu.region"() ({
      %run_scoped3A = tpu.sem_alloc : memref<!tpu.dma_semaphore, #tpu.memory_space<semaphore_mem>>
      tpu.enqueue_dma source(%arg3 : memref<2048xf32, #tpu.memory_space<hbm>>) target(%arg10 : memref<2048xf32, #tpu.memory_space<vmem>>) target_semaphore(%run_scoped3A : memref<!tpu.dma_semaphore, #tpu.memory_space<semaphore_mem>>)
      tpu.wait_dma2 semaphore(%run_scoped3A : memref<!tpu.dma_semaphore, #tpu.memory_space<semaphore_mem>>) src(%arg3 : memref<2048xf32, #tpu.memory_space<hbm>>) dst(%arg10 : memref<2048xf32, #tpu.memory_space<vmem>>)
      tpu.yield
    }) : () -> ()
    "tpu.region"() ({
      %run_scoped3A = tpu.sem_alloc : memref<!tpu.dma_semaphore, #tpu.memory_space<semaphore_mem>>
      tpu.enqueue_dma source(%arg4 : memref<2048xf32, #tpu.memory_space<hbm>>) target(%arg11 : memref<2048xf32, #tpu.memory_space<vmem>>) target_semaphore(%run_scoped3A : memref<!tpu.dma_semaphore, #tpu.memory_space<semaphore_mem>>)
      tpu.wait_dma2 semaphore(%run_scoped3A : memref<!tpu.dma_semaphore, #tpu.memory_space<semaphore_mem>>) src(%arg4 : memref<2048xf32, #tpu.memory_space<hbm>>) dst(%arg11 : memref<2048xf32, #tpu.memory_space<vmem>>)
      tpu.yield
    }) : () -> ()
    "tpu.region"() ({
      %run_scoped3A = tpu.sem_alloc : memref<!tpu.dma_semaphore, #tpu.memory_space<semaphore_mem>>
      tpu.enqueue_dma source(%arg5 : memref<2048xf32, #tpu.memory_space<hbm>>) target(%arg12 : memref<2048xf32, #tpu.memory_space<vmem>>) target_semaphore(%run_scoped3A : memref<!tpu.dma_semaphore, #tpu.memory_space<semaphore_mem>>)
      tpu.wait_dma2 semaphore(%run_scoped3A : memref<!tpu.dma_semaphore, #tpu.memory_space<semaphore_mem>>) src(%arg5 : memref<2048xf32, #tpu.memory_space<hbm>>) dst(%arg12 : memref<2048xf32, #tpu.memory_space<vmem>>)
      tpu.yield
    }) : () -> ()
    "tpu.region"() ({
      %run_scoped3A = tpu.sem_alloc : memref<!tpu.dma_semaphore, #tpu.memory_space<semaphore_mem>>
      tpu.enqueue_dma source(%arg6 : memref<4x16xf32, #tpu.memory_space<hbm>>) target(%arg15 : memref<4x16xf32, #tpu.memory_space<vmem>>) target_semaphore(%run_scoped3A : memref<!tpu.dma_semaphore, #tpu.memory_space<semaphore_mem>>)
      tpu.wait_dma2 semaphore(%run_scoped3A : memref<!tpu.dma_semaphore, #tpu.memory_space<semaphore_mem>>) src(%arg6 : memref<4x16xf32, #tpu.memory_space<hbm>>) dst(%arg15 : memref<4x16xf32, #tpu.memory_space<vmem>>)
      tpu.yield
    }) : () -> ()
    "tpu.region"() ({
      %run_scoped3A = tpu.sem_alloc : memref<!tpu.dma_semaphore, #tpu.memory_space<semaphore_mem>>
      tpu.enqueue_dma source(%arg7 : memref<16xf32, #tpu.memory_space<hbm>>) target(%arg16 : memref<16xf32, #tpu.memory_space<vmem>>) target_semaphore(%run_scoped3A : memref<!tpu.dma_semaphore, #tpu.memory_space<semaphore_mem>>)
      tpu.wait_dma2 semaphore(%run_scoped3A : memref<!tpu.dma_semaphore, #tpu.memory_space<semaphore_mem>>) src(%arg7 : memref<16xf32, #tpu.memory_space<hbm>>) dst(%arg16 : memref<16xf32, #tpu.memory_space<vmem>>)
      tpu.yield
    }) : () -> ()
    %iota3A = tpu.iota {dimensions = array<i32: 0>} : vector<16xi32>
    %shift_right_logical3A = arith.constant 3 : i32
    %shift_right_logical3A_5 = vector.broadcast %shift_right_logical3A : i32 to vector<16xi32>
    %shift_right_logical3A_6 = arith.shrui %iota3A, %shift_right_logical3A_5 : vector<16xi32>
    %scan3A = arith.constant 0 : i32
    %scan3A_7 = arith.constant 0 : i32
    %scan3A_8 = arith.constant 128 : i32
    %scan3A_9 = arith.addi %scan3A_7, %scan3A_8 : i32
    %scan3A_10 = arith.constant 1 : i32
    scf.for %scan3A_37 = %scan3A_7 to %scan3A_9 step %scan3A_10  : i32 {
      %mul3A_38 = arith.constant 16 : i32
      %mul3A_39 = arith.muli %scan3A_37, %mul3A_38 : i32
      %get3A_40 = arith.index_cast %mul3A_39 : i32 to index
      %get3A_41 = tpu.vector_load %arg11[%get3A_40] {strides = array<i32>} : memref<2048xf32, #tpu.memory_space<vmem>>, vector<16xf32>,
      %get3A_42 = arith.index_cast %mul3A_39 : i32 to index
      %get3A_43 = tpu.vector_load %arg9[%get3A_42] {strides = array<i32>} : memref<2048xf32, #tpu.memory_space<vmem>>, vector<16xf32>,
      %sub3A = arith.subf %get3A_41, %get3A_43 : vector<16xf32>
      %swap3A = arith.index_cast %mul3A_39 : i32 to index
      %swap3A_44 = tpu.vector_load %arg13[%swap3A] {strides = array<i32>} : memref<2048xf32, #tpu.memory_space<vmem>>, vector<16xf32>,
      tpu.vector_store %arg13[%swap3A], %sub3A {strides = array<i32>} : memref<2048xf32, #tpu.memory_space<vmem>>, vector<16xf32>,
      %get3A_45 = arith.index_cast %mul3A_39 : i32 to index
      %get3A_46 = tpu.vector_load %arg12[%get3A_45] {strides = array<i32>} : memref<2048xf32, #tpu.memory_space<vmem>>, vector<16xf32>,
      %get3A_47 = arith.index_cast %mul3A_39 : i32 to index
      %get3A_48 = tpu.vector_load %arg10[%get3A_47] {strides = array<i32>} : memref<2048xf32, #tpu.memory_space<vmem>>, vector<16xf32>,
      %sub3A_49 = arith.subf %get3A_46, %get3A_48 : vector<16xf32>
      %swap3A_50 = arith.index_cast %mul3A_39 : i32 to index
      %swap3A_51 = tpu.vector_load %arg14[%swap3A_50] {strides = array<i32>} : memref<2048xf32, #tpu.memory_space<vmem>>, vector<16xf32>,
      tpu.vector_store %arg14[%swap3A_50], %sub3A_49 {strides = array<i32>} : memref<2048xf32, #tpu.memory_space<vmem>>, vector<16xf32>,
    }
    %scan3A_11 = arith.constant 128 : i32
    %get3A = arith.constant 0 : index
    %get3A_12 = tpu.vector_load %arg16[%get3A] {strides = array<i32>} : memref<16xf32, #tpu.memory_space<vmem>>, vector<16xf32>,
    %get3A_13 = arith.constant 0 : i32
    %get3A_14 = arith.index_cast %get3A_13 : i32 to index
    %get3A_15 = arith.constant 0 : index
    %get3A_16 = tpu.vector_load %arg15[%get3A_14, %get3A_15] {strides = array<i32>} : memref<4x16xf32, #tpu.memory_space<vmem>>, vector<16xf32>,
    %get3A_17 = arith.constant 1 : i32
    %get3A_18 = arith.index_cast %get3A_17 : i32 to index
    %get3A_19 = arith.constant 0 : index
    %get3A_20 = tpu.vector_load %arg15[%get3A_18, %get3A_19] {strides = array<i32>} : memref<4x16xf32, #tpu.memory_space<vmem>>, vector<16xf32>,
    %get3A_21 = arith.constant 2 : i32
    %get3A_22 = arith.index_cast %get3A_21 : i32 to index
    %get3A_23 = arith.constant 0 : index
    %get3A_24 = tpu.vector_load %arg15[%get3A_22, %get3A_23] {strides = array<i32>} : memref<4x16xf32, #tpu.memory_space<vmem>>, vector<16xf32>,
    %get3A_25 = arith.constant 3 : i32
    %get3A_26 = arith.index_cast %get3A_25 : i32 to index
    %get3A_27 = arith.constant 0 : index
    %get3A_28 = tpu.vector_load %arg15[%get3A_26, %get3A_27] {strides = array<i32>} : memref<4x16xf32, #tpu.memory_space<vmem>>, vector<16xf32>,
    %scan3A_29 = arith.constant 0 : i32
    %scan3A_30 = arith.constant 0 : i32
    %scan3A_31 = arith.constant 11 : i32
    %scan3A_32 = arith.addi %scan3A_30, %scan3A_31 : i32
    %scan3A_33 = arith.constant 1 : i32
    scf.for %scan3A_37 = %scan3A_30 to %scan3A_32 step %scan3A_33  : i32 {
      %mul3A_38 = arith.constant 4 : i32
      %mul3A_39 = arith.muli %scan3A_37, %mul3A_38 : i32
      %add3A_40 = arith.constant 0 : i32
      %add3A_41 = arith.addi %mul3A_39, %add3A_40 : i32
      %mul3A_42 = arith.constant 4 : i32
      %mul3A_43 = arith.muli %scan3A_37, %mul3A_42 : i32
      %add3A_44 = arith.constant 1 : i32
      %add3A_45 = arith.addi %mul3A_43, %add3A_44 : i32
      %mul3A_46 = arith.constant 4 : i32
      %mul3A_47 = arith.muli %scan3A_37, %mul3A_46 : i32
      %add3A_48 = arith.constant 2 : i32
      %add3A_49 = arith.addi %mul3A_47, %add3A_48 : i32
      %mul3A_50 = arith.constant 4 : i32
      %mul3A_51 = arith.muli %scan3A_37, %mul3A_50 : i32
      %add3A_52 = arith.constant 3 : i32
      %add3A_53 = arith.addi %mul3A_51, %add3A_52 : i32
      %add3A_54 = arith.addi %add3A_4, %add3A_41 : i32
      %broadcast_in_dim3A = vector.broadcast %add3A_54 : i32 to vector<16xi32>
      %add3A_55 = arith.addi %add3A_4, %add3A_45 : i32
      %broadcast_in_dim3A_56 = vector.broadcast %add3A_55 : i32 to vector<16xi32>
      %add3A_57 = arith.addi %add3A_4, %add3A_49 : i32
      %broadcast_in_dim3A_58 = vector.broadcast %add3A_57 : i32 to vector<16xi32>
      %add3A_59 = arith.addi %add3A_4, %add3A_53 : i32
      %broadcast_in_dim3A_60 = vector.broadcast %add3A_59 : i32 to vector<16xi32>
      %gather3A = tpu.vector_load_idx %arg11[%broadcast_in_dim3A] : memref<2048xf32, #tpu.memory_space<vmem>>[vector<16xi32>], vector<16xf32>,
      %gather3A_61 = tpu.vector_load_idx %arg11[%broadcast_in_dim3A_56] : memref<2048xf32, #tpu.memory_space<vmem>>[vector<16xi32>], vector<16xf32>,
      %gather3A_62 = tpu.vector_load_idx %arg11[%broadcast_in_dim3A_58] : memref<2048xf32, #tpu.memory_space<vmem>>[vector<16xi32>], vector<16xf32>,
      %gather3A_63 = tpu.vector_load_idx %arg11[%broadcast_in_dim3A_60] : memref<2048xf32, #tpu.memory_space<vmem>>[vector<16xi32>], vector<16xf32>,
      %gather3A_64 = tpu.vector_load_idx %arg12[%broadcast_in_dim3A] : memref<2048xf32, #tpu.memory_space<vmem>>[vector<16xi32>], vector<16xf32>,
      %gather3A_65 = tpu.vector_load_idx %arg12[%broadcast_in_dim3A_56] : memref<2048xf32, #tpu.memory_space<vmem>>[vector<16xi32>], vector<16xf32>,
      %gather3A_66 = tpu.vector_load_idx %arg12[%broadcast_in_dim3A_58] : memref<2048xf32, #tpu.memory_space<vmem>>[vector<16xi32>], vector<16xf32>,
      %gather3A_67 = tpu.vector_load_idx %arg12[%broadcast_in_dim3A_60] : memref<2048xf32, #tpu.memory_space<vmem>>[vector<16xi32>], vector<16xf32>,
      %gather3A_68 = tpu.vector_load_idx %arg13[%broadcast_in_dim3A] : memref<2048xf32, #tpu.memory_space<vmem>>[vector<16xi32>], vector<16xf32>,
      %gather3A_69 = tpu.vector_load_idx %arg13[%broadcast_in_dim3A_56] : memref<2048xf32, #tpu.memory_space<vmem>>[vector<16xi32>], vector<16xf32>,
      %gather3A_70 = tpu.vector_load_idx %arg13[%broadcast_in_dim3A_58] : memref<2048xf32, #tpu.memory_space<vmem>>[vector<16xi32>], vector<16xf32>,
      %gather3A_71 = tpu.vector_load_idx %arg13[%broadcast_in_dim3A_60] : memref<2048xf32, #tpu.memory_space<vmem>>[vector<16xi32>], vector<16xf32>,
      %gather3A_72 = tpu.vector_load_idx %arg14[%broadcast_in_dim3A] : memref<2048xf32, #tpu.memory_space<vmem>>[vector<16xi32>], vector<16xf32>,
      %gather3A_73 = tpu.vector_load_idx %arg14[%broadcast_in_dim3A_56] : memref<2048xf32, #tpu.memory_space<vmem>>[vector<16xi32>], vector<16xf32>,
      %gather3A_74 = tpu.vector_load_idx %arg14[%broadcast_in_dim3A_58] : memref<2048xf32, #tpu.memory_space<vmem>>[vector<16xi32>], vector<16xf32>,
      %gather3A_75 = tpu.vector_load_idx %arg14[%broadcast_in_dim3A_60] : memref<2048xf32, #tpu.memory_space<vmem>>[vector<16xi32>], vector<16xf32>,
      %broadcast_in_dim3A_76 = arith.constant 0x7F800000 : f32
      %broadcast_in_dim3A_77 = vector.broadcast %broadcast_in_dim3A_76 : f32 to vector<16xf32>
      %broadcast_in_dim3A_78 = arith.constant 0 : i32
      %broadcast_in_dim3A_79 = vector.broadcast %broadcast_in_dim3A_78 : i32 to vector<16xi32>
      %scan3A_80 = arith.constant 0 : i32
      %scan3A_81 = arith.constant 128 : i32
      %scan3A_82 = arith.addi %scan3A_80, %scan3A_81 : i32
      %scan3A_83 = arith.constant 1 : i32
      %scan3A_84:8 = scf.for %scan3A_627 = %scan3A_80 to %scan3A_82 step %scan3A_83 iter_args(%scan3A_628 = %broadcast_in_dim3A_77, %scan3A_629 = %broadcast_in_dim3A_79, %scan3A_630 = %broadcast_in_dim3A_77, %scan3A_631 = %broadcast_in_dim3A_79, %scan3A_632 = %broadcast_in_dim3A_77, %scan3A_633 = %broadcast_in_dim3A_79, %scan3A_634 = %broadcast_in_dim3A_77, %scan3A_635 = %broadcast_in_dim3A_79) -> (vector<16xf32>, vector<16xi32>, vector<16xf32>, vector<16xi32>, vector<16xf32>, vector<16xi32>, vector<16xf32>, vector<16xi32>)  : i32 {
        %mul3A_636 = arith.constant 16 : i32
        %mul3A_637 = arith.muli %scan3A_627, %mul3A_636 : i32
        %mul3A_638 = arith.constant 16 : i32
        %mul3A_639 = arith.muli %scan3A_627, %mul3A_638 : i32
        %add3A_640 = vector.broadcast %mul3A_639 : i32 to vector<16xi32>
        %add3A_641 = arith.addi %iota3A, %add3A_640 : vector<16xi32>
        %get3A_642 = arith.index_cast %mul3A_637 : i32 to index
        %get3A_643 = tpu.vector_load %arg11[%get3A_642] {strides = array<i32>} : memref<2048xf32, #tpu.memory_space<vmem>>, vector<16xf32>,
        %get3A_644 = arith.index_cast %mul3A_637 : i32 to index
        %get3A_645 = tpu.vector_load %arg12[%get3A_644] {strides = array<i32>} : memref<2048xf32, #tpu.memory_space<vmem>>, vector<16xf32>,
        %sub3A_646 = arith.subf %get3A_643, %gather3A : vector<16xf32>
        %sub3A_647 = arith.subf %get3A_645, %gather3A_64 : vector<16xf32>
        %mul3A_648 = arith.mulf %sub3A_646, %sub3A_646 : vector<16xf32>
        %mul3A_649 = arith.mulf %sub3A_647, %sub3A_647 : vector<16xf32>
        %add3A_650 = arith.addf %mul3A_648, %mul3A_649 : vector<16xf32>
        %eq3A = arith.cmpi eq, %add3A_641, %broadcast_in_dim3A : vector<16xi32>
        %jit3A = arith.constant 0x7F800000 : f32
        %broadcast_in_dim3A_651 = vector.broadcast %jit3A : f32 to vector<16xf32>
        %select_n3A = arith.select %eq3A, %broadcast_in_dim3A_651, %add3A_650 : vector<16xi1>, vector<16xf32>
        %masked_sort3A = arith.constant dense<true> : vector<16xi1>
        %masked_sort3A_652, %masked_sort3A_653, %masked_sort3A_654 = tpu.sort %select_n3A, %add3A_641 masked %masked_sort3A : (vector<16xf32>, vector<16xi32>, vector<16xi1>) -> (vector<16xi1>, vector<16xf32>, vector<16xi32>)
        %rev3A = arith.constant 15 : i32
        %rev3A_655 = vector.broadcast %rev3A : i32 to vector<16xi32>
        %rev3A_656 = tpu.iota {dimensions = array<i32: 0>} : vector<16xi32>
        %rev3A_657 = arith.subi %rev3A_655, %rev3A_656 : vector<16xi32>
        %rev3A_658 = tpu.dynamic_gather %masked_sort3A_653[%rev3A_657] in [0] : vector<16xf32>, vector<16xi32> -> vector<16xf32>
        %rev3A_659 = arith.constant 15 : i32
        %rev3A_660 = vector.broadcast %rev3A_659 : i32 to vector<16xi32>
        %rev3A_661 = tpu.iota {dimensions = array<i32: 0>} : vector<16xi32>
        %rev3A_662 = arith.subi %rev3A_660, %rev3A_661 : vector<16xi32>
        %rev3A_663 = tpu.dynamic_gather %masked_sort3A_654[%rev3A_662] in [0] : vector<16xi32>, vector<16xi32> -> vector<16xi32>
        %le3A = arith.cmpf ole, %scan3A_628, %rev3A_658 : vector<16xf32>
        %select_n3A_664 = arith.select %le3A, %scan3A_628, %rev3A_658 : vector<16xi1>, vector<16xf32>
        %select_n3A_665 = arith.select %le3A, %scan3A_629, %rev3A_663 : vector<16xi1>, vector<16xi32>
        %masked_sort3A_666 = arith.constant dense<true> : vector<16xi1>
        %masked_sort3A_667, %masked_sort3A_668, %masked_sort3A_669 = tpu.sort %select_n3A_664, %select_n3A_665 masked %masked_sort3A_666 : (vector<16xf32>, vector<16xi32>, vector<16xi1>) -> (vector<16xi1>, vector<16xf32>, vector<16xi32>)
        %sub3A_670 = arith.subf %get3A_643, %gather3A_61 : vector<16xf32>
        %sub3A_671 = arith.subf %get3A_645, %gather3A_65 : vector<16xf32>
        %mul3A_672 = arith.mulf %sub3A_670, %sub3A_670 : vector<16xf32>
        %mul3A_673 = arith.mulf %sub3A_671, %sub3A_671 : vector<16xf32>
        %add3A_674 = arith.addf %mul3A_672, %mul3A_673 : vector<16xf32>
        %eq3A_675 = arith.cmpi eq, %add3A_641, %broadcast_in_dim3A_56 : vector<16xi32>
        %jit3A_676 = arith.constant 0x7F800000 : f32
        %broadcast_in_dim3A_677 = vector.broadcast %jit3A_676 : f32 to vector<16xf32>
        %select_n3A_678 = arith.select %eq3A_675, %broadcast_in_dim3A_677, %add3A_674 : vector<16xi1>, vector<16xf32>
        %masked_sort3A_679 = arith.constant dense<true> : vector<16xi1>
        %masked_sort3A_680, %masked_sort3A_681, %masked_sort3A_682 = tpu.sort %select_n3A_678, %add3A_641 masked %masked_sort3A_679 : (vector<16xf32>, vector<16xi32>, vector<16xi1>) -> (vector<16xi1>, vector<16xf32>, vector<16xi32>)
        %rev3A_683 = arith.constant 15 : i32
        %rev3A_684 = vector.broadcast %rev3A_683 : i32 to vector<16xi32>
        %rev3A_685 = tpu.iota {dimensions = array<i32: 0>} : vector<16xi32>
        %rev3A_686 = arith.subi %rev3A_684, %rev3A_685 : vector<16xi32>
        %rev3A_687 = tpu.dynamic_gather %masked_sort3A_681[%rev3A_686] in [0] : vector<16xf32>, vector<16xi32> -> vector<16xf32>
        %rev3A_688 = arith.constant 15 : i32
        %rev3A_689 = vector.broadcast %rev3A_688 : i32 to vector<16xi32>
        %rev3A_690 = tpu.iota {dimensions = array<i32: 0>} : vector<16xi32>
        %rev3A_691 = arith.subi %rev3A_689, %rev3A_690 : vector<16xi32>
        %rev3A_692 = tpu.dynamic_gather %masked_sort3A_682[%rev3A_691] in [0] : vector<16xi32>, vector<16xi32> -> vector<16xi32>
        %le3A_693 = arith.cmpf ole, %scan3A_630, %rev3A_687 : vector<16xf32>
        %select_n3A_694 = arith.select %le3A_693, %scan3A_630, %rev3A_687 : vector<16xi1>, vector<16xf32>
        %select_n3A_695 = arith.select %le3A_693, %scan3A_631, %rev3A_692 : vector<16xi1>, vector<16xi32>
        %masked_sort3A_696 = arith.constant dense<true> : vector<16xi1>
        %masked_sort3A_697, %masked_sort3A_698, %masked_sort3A_699 = tpu.sort %select_n3A_694, %select_n3A_695 masked %masked_sort3A_696 : (vector<16xf32>, vector<16xi32>, vector<16xi1>) -> (vector<16xi1>, vector<16xf32>, vector<16xi32>)
        %sub3A_700 = arith.subf %get3A_643, %gather3A_62 : vector<16xf32>
        %sub3A_701 = arith.subf %get3A_645, %gather3A_66 : vector<16xf32>
        %mul3A_702 = arith.mulf %sub3A_700, %sub3A_700 : vector<16xf32>
        %mul3A_703 = arith.mulf %sub3A_701, %sub3A_701 : vector<16xf32>
        %add3A_704 = arith.addf %mul3A_702, %mul3A_703 : vector<16xf32>
        %eq3A_705 = arith.cmpi eq, %add3A_641, %broadcast_in_dim3A_58 : vector<16xi32>
        %jit3A_706 = arith.constant 0x7F800000 : f32
        %broadcast_in_dim3A_707 = vector.broadcast %jit3A_706 : f32 to vector<16xf32>
        %select_n3A_708 = arith.select %eq3A_705, %broadcast_in_dim3A_707, %add3A_704 : vector<16xi1>, vector<16xf32>
        %masked_sort3A_709 = arith.constant dense<true> : vector<16xi1>
        %masked_sort3A_710, %masked_sort3A_711, %masked_sort3A_712 = tpu.sort %select_n3A_708, %add3A_641 masked %masked_sort3A_709 : (vector<16xf32>, vector<16xi32>, vector<16xi1>) -> (vector<16xi1>, vector<16xf32>, vector<16xi32>)
        %rev3A_713 = arith.constant 15 : i32
        %rev3A_714 = vector.broadcast %rev3A_713 : i32 to vector<16xi32>
        %rev3A_715 = tpu.iota {dimensions = array<i32: 0>} : vector<16xi32>
        %rev3A_716 = arith.subi %rev3A_714, %rev3A_715 : vector<16xi32>
        %rev3A_717 = tpu.dynamic_gather %masked_sort3A_711[%rev3A_716] in [0] : vector<16xf32>, vector<16xi32> -> vector<16xf32>
        %rev3A_718 = arith.constant 15 : i32
        %rev3A_719 = vector.broadcast %rev3A_718 : i32 to vector<16xi32>
        %rev3A_720 = tpu.iota {dimensions = array<i32: 0>} : vector<16xi32>
        %rev3A_721 = arith.subi %rev3A_719, %rev3A_720 : vector<16xi32>
        %rev3A_722 = tpu.dynamic_gather %masked_sort3A_712[%rev3A_721] in [0] : vector<16xi32>, vector<16xi32> -> vector<16xi32>
        %le3A_723 = arith.cmpf ole, %scan3A_632, %rev3A_717 : vector<16xf32>
        %select_n3A_724 = arith.select %le3A_723, %scan3A_632, %rev3A_717 : vector<16xi1>, vector<16xf32>
        %select_n3A_725 = arith.select %le3A_723, %scan3A_633, %rev3A_722 : vector<16xi1>, vector<16xi32>
        %masked_sort3A_726 = arith.constant dense<true> : vector<16xi1>
        %masked_sort3A_727, %masked_sort3A_728, %masked_sort3A_729 = tpu.sort %select_n3A_724, %select_n3A_725 masked %masked_sort3A_726 : (vector<16xf32>, vector<16xi32>, vector<16xi1>) -> (vector<16xi1>, vector<16xf32>, vector<16xi32>)
        %sub3A_730 = arith.subf %get3A_643, %gather3A_63 : vector<16xf32>
        %sub3A_731 = arith.subf %get3A_645, %gather3A_67 : vector<16xf32>
        %mul3A_732 = arith.mulf %sub3A_730, %sub3A_730 : vector<16xf32>
        %mul3A_733 = arith.mulf %sub3A_731, %sub3A_731 : vector<16xf32>
        %add3A_734 = arith.addf %mul3A_732, %mul3A_733 : vector<16xf32>
        %eq3A_735 = arith.cmpi eq, %add3A_641, %broadcast_in_dim3A_60 : vector<16xi32>
        %jit3A_736 = arith.constant 0x7F800000 : f32
        %broadcast_in_dim3A_737 = vector.broadcast %jit3A_736 : f32 to vector<16xf32>
        %select_n3A_738 = arith.select %eq3A_735, %broadcast_in_dim3A_737, %add3A_734 : vector<16xi1>, vector<16xf32>
        %masked_sort3A_739 = arith.constant dense<true> : vector<16xi1>
        %masked_sort3A_740, %masked_sort3A_741, %masked_sort3A_742 = tpu.sort %select_n3A_738, %add3A_641 masked %masked_sort3A_739 : (vector<16xf32>, vector<16xi32>, vector<16xi1>) -> (vector<16xi1>, vector<16xf32>, vector<16xi32>)
        %rev3A_743 = arith.constant 15 : i32
        %rev3A_744 = vector.broadcast %rev3A_743 : i32 to vector<16xi32>
        %rev3A_745 = tpu.iota {dimensions = array<i32: 0>} : vector<16xi32>
        %rev3A_746 = arith.subi %rev3A_744, %rev3A_745 : vector<16xi32>
        %rev3A_747 = tpu.dynamic_gather %masked_sort3A_741[%rev3A_746] in [0] : vector<16xf32>, vector<16xi32> -> vector<16xf32>
        %rev3A_748 = arith.constant 15 : i32
        %rev3A_749 = vector.broadcast %rev3A_748 : i32 to vector<16xi32>
        %rev3A_750 = tpu.iota {dimensions = array<i32: 0>} : vector<16xi32>
        %rev3A_751 = arith.subi %rev3A_749, %rev3A_750 : vector<16xi32>
        %rev3A_752 = tpu.dynamic_gather %masked_sort3A_742[%rev3A_751] in [0] : vector<16xi32>, vector<16xi32> -> vector<16xi32>
        %le3A_753 = arith.cmpf ole, %scan3A_634, %rev3A_747 : vector<16xf32>
        %select_n3A_754 = arith.select %le3A_753, %scan3A_634, %rev3A_747 : vector<16xi1>, vector<16xf32>
        %select_n3A_755 = arith.select %le3A_753, %scan3A_635, %rev3A_752 : vector<16xi1>, vector<16xi32>
        %masked_sort3A_756 = arith.constant dense<true> : vector<16xi1>
        %masked_sort3A_757, %masked_sort3A_758, %masked_sort3A_759 = tpu.sort %select_n3A_754, %select_n3A_755 masked %masked_sort3A_756 : (vector<16xf32>, vector<16xi32>, vector<16xi1>) -> (vector<16xi1>, vector<16xf32>, vector<16xi32>)
        scf.yield %masked_sort3A_668, %masked_sort3A_669, %masked_sort3A_698, %masked_sort3A_699, %masked_sort3A_728, %masked_sort3A_729, %masked_sort3A_758, %masked_sort3A_759 : vector<16xf32>, vector<16xi32>, vector<16xf32>, vector<16xi32>, vector<16xf32>, vector<16xi32>, vector<16xf32>, vector<16xi32>
      }
      %scan3A_85 = arith.constant 128 : i32
      %gather3A_86 = tpu.vector_load_idx %arg11[%scan3A_84#1] : memref<2048xf32, #tpu.memory_space<vmem>>[vector<16xi32>], vector<16xf32>,
      %gather3A_87 = tpu.vector_load_idx %arg12[%scan3A_84#1] : memref<2048xf32, #tpu.memory_space<vmem>>[vector<16xi32>], vector<16xf32>,
      %gather3A_88 = tpu.vector_load_idx %arg13[%scan3A_84#1] : memref<2048xf32, #tpu.memory_space<vmem>>[vector<16xi32>], vector<16xf32>,
      %gather3A_89 = tpu.vector_load_idx %arg14[%scan3A_84#1] : memref<2048xf32, #tpu.memory_space<vmem>>[vector<16xi32>], vector<16xf32>,
      %sub3A = arith.subf %gather3A_86, %gather3A : vector<16xf32>
      %swap3A = arith.constant 0 : index
      %swap3A_90 = tpu.vector_load %arg17[%swap3A] {strides = array<i32>} : memref<64xf32, #tpu.memory_space<vmem>>, vector<16xf32>,
      tpu.vector_store %arg17[%swap3A], %sub3A {strides = array<i32>} : memref<64xf32, #tpu.memory_space<vmem>>, vector<16xf32>,
      %sub3A_91 = arith.subf %gather3A_87, %gather3A_64 : vector<16xf32>
      %swap3A_92 = arith.constant 16 : index
      %swap3A_93 = tpu.vector_load %arg17[%swap3A_92] {strides = array<i32>} : memref<64xf32, #tpu.memory_space<vmem>>, vector<16xf32>,
      tpu.vector_store %arg17[%swap3A_92], %sub3A_91 {strides = array<i32>} : memref<64xf32, #tpu.memory_space<vmem>>, vector<16xf32>,
      %sub3A_94 = arith.subf %gather3A_88, %gather3A_68 : vector<16xf32>
      %swap3A_95 = arith.constant 32 : index
      %swap3A_96 = tpu.vector_load %arg17[%swap3A_95] {strides = array<i32>} : memref<64xf32, #tpu.memory_space<vmem>>, vector<16xf32>,
      tpu.vector_store %arg17[%swap3A_95], %sub3A_94 {strides = array<i32>} : memref<64xf32, #tpu.memory_space<vmem>>, vector<16xf32>,
      %sub3A_97 = arith.subf %gather3A_89, %gather3A_72 : vector<16xf32>
      %swap3A_98 = arith.constant 48 : index
      %swap3A_99 = tpu.vector_load %arg17[%swap3A_98] {strides = array<i32>} : memref<64xf32, #tpu.memory_space<vmem>>, vector<16xf32>,
      tpu.vector_store %arg17[%swap3A_98], %sub3A_97 {strides = array<i32>} : memref<64xf32, #tpu.memory_space<vmem>>, vector<16xf32>,
      %add3A_100 = arith.constant 0 : i32
      %add3A_101 = vector.broadcast %add3A_100 : i32 to vector<16xi32>
      %add3A_102 = arith.addi %shift_right_logical3A_6, %add3A_101 : vector<16xi32>
      %gather3A_103 = tpu.vector_load_idx %arg17[%add3A_102] : memref<64xf32, #tpu.memory_space<vmem>>[vector<16xi32>], vector<16xf32>,
      %mul3A_104 = arith.mulf %gather3A_103, %get3A_16 : vector<16xf32>
      %add3A_105 = arith.addf %get3A_12, %mul3A_104 : vector<16xf32>
      %add3A_106 = arith.constant 16 : i32
      %add3A_107 = vector.broadcast %add3A_106 : i32 to vector<16xi32>
      %add3A_108 = arith.addi %add3A_102, %add3A_107 : vector<16xi32>
      %gather3A_109 = tpu.vector_load_idx %arg17[%add3A_108] : memref<64xf32, #tpu.memory_space<vmem>>[vector<16xi32>], vector<16xf32>,
      %mul3A_110 = arith.mulf %gather3A_109, %get3A_20 : vector<16xf32>
      %add3A_111 = arith.addf %add3A_105, %mul3A_110 : vector<16xf32>
      %add3A_112 = arith.constant 32 : i32
      %add3A_113 = vector.broadcast %add3A_112 : i32 to vector<16xi32>
      %add3A_114 = arith.addi %add3A_102, %add3A_113 : vector<16xi32>
      %gather3A_115 = tpu.vector_load_idx %arg17[%add3A_114] : memref<64xf32, #tpu.memory_space<vmem>>[vector<16xi32>], vector<16xf32>,
      %mul3A_116 = arith.mulf %gather3A_115, %get3A_24 : vector<16xf32>
      %add3A_117 = arith.addf %add3A_111, %mul3A_116 : vector<16xf32>
      %add3A_118 = arith.constant 48 : i32
      %add3A_119 = vector.broadcast %add3A_118 : i32 to vector<16xi32>
      %add3A_120 = arith.addi %add3A_102, %add3A_119 : vector<16xi32>
      %gather3A_121 = tpu.vector_load_idx %arg17[%add3A_120] : memref<64xf32, #tpu.memory_space<vmem>>[vector<16xi32>], vector<16xf32>,
      %mul3A_122 = arith.mulf %gather3A_121, %get3A_28 : vector<16xf32>
      %add3A_123 = arith.addf %add3A_117, %mul3A_122 : vector<16xf32>
      %max3A = arith.constant 0.000000e+00 : f32
      %max3A_124 = vector.broadcast %max3A : f32 to vector<16xf32>
      %max3A_125 = arith.maximumf %add3A_123, %max3A_124 : vector<16xf32>
      %swap3A_126 = arith.index_cast %add3A_41 : i32 to index
      %swap3A_127 = arith.constant 0 : index
      %swap3A_128 = tpu.vector_load %arg18[%swap3A_126, %swap3A_127] {strides = array<i32>} : memref<44x64xf32, #tpu.memory_space<vmem>>, vector<16xf32>,
      tpu.vector_store %arg18[%swap3A_126, %swap3A_127], %max3A_125 {strides = array<i32>} : memref<44x64xf32, #tpu.memory_space<vmem>>, vector<16xf32>,
      %add3A_129 = arith.constant 2 : i32
      %add3A_130 = vector.broadcast %add3A_129 : i32 to vector<16xi32>
      %add3A_131 = arith.addi %shift_right_logical3A_6, %add3A_130 : vector<16xi32>
      %gather3A_132 = tpu.vector_load_idx %arg17[%add3A_131] : memref<64xf32, #tpu.memory_space<vmem>>[vector<16xi32>], vector<16xf32>,
      %mul3A_133 = arith.mulf %gather3A_132, %get3A_16 : vector<16xf32>
      %add3A_134 = arith.addf %get3A_12, %mul3A_133 : vector<16xf32>
      %add3A_135 = arith.constant 16 : i32
      %add3A_136 = vector.broadcast %add3A_135 : i32 to vector<16xi32>
      %add3A_137 = arith.addi %add3A_131, %add3A_136 : vector<16xi32>
      %gather3A_138 = tpu.vector_load_idx %arg17[%add3A_137] : memref<64xf32, #tpu.memory_space<vmem>>[vector<16xi32>], vector<16xf32>,
      %mul3A_139 = arith.mulf %gather3A_138, %get3A_20 : vector<16xf32>
      %add3A_140 = arith.addf %add3A_134, %mul3A_139 : vector<16xf32>
      %add3A_141 = arith.constant 32 : i32
      %add3A_142 = vector.broadcast %add3A_141 : i32 to vector<16xi32>
      %add3A_143 = arith.addi %add3A_131, %add3A_142 : vector<16xi32>
      %gather3A_144 = tpu.vector_load_idx %arg17[%add3A_143] : memref<64xf32, #tpu.memory_space<vmem>>[vector<16xi32>], vector<16xf32>,
      %mul3A_145 = arith.mulf %gather3A_144, %get3A_24 : vector<16xf32>
      %add3A_146 = arith.addf %add3A_140, %mul3A_145 : vector<16xf32>
      %add3A_147 = arith.constant 48 : i32
      %add3A_148 = vector.broadcast %add3A_147 : i32 to vector<16xi32>
      %add3A_149 = arith.addi %add3A_131, %add3A_148 : vector<16xi32>
      %gather3A_150 = tpu.vector_load_idx %arg17[%add3A_149] : memref<64xf32, #tpu.memory_space<vmem>>[vector<16xi32>], vector<16xf32>,
      %mul3A_151 = arith.mulf %gather3A_150, %get3A_28 : vector<16xf32>
      %add3A_152 = arith.addf %add3A_146, %mul3A_151 : vector<16xf32>
      %max3A_153 = arith.constant 0.000000e+00 : f32
      %max3A_154 = vector.broadcast %max3A_153 : f32 to vector<16xf32>
      %max3A_155 = arith.maximumf %add3A_152, %max3A_154 : vector<16xf32>
      %swap3A_156 = arith.index_cast %add3A_41 : i32 to index
      %swap3A_157 = arith.constant 16 : index
      %swap3A_158 = tpu.vector_load %arg18[%swap3A_156, %swap3A_157] {strides = array<i32>} : memref<44x64xf32, #tpu.memory_space<vmem>>, vector<16xf32>,
      tpu.vector_store %arg18[%swap3A_156, %swap3A_157], %max3A_155 {strides = array<i32>} : memref<44x64xf32, #tpu.memory_space<vmem>>, vector<16xf32>,
      %add3A_159 = arith.constant 4 : i32
      %add3A_160 = vector.broadcast %add3A_159 : i32 to vector<16xi32>
      %add3A_161 = arith.addi %shift_right_logical3A_6, %add3A_160 : vector<16xi32>
      %gather3A_162 = tpu.vector_load_idx %arg17[%add3A_161] : memref<64xf32, #tpu.memory_space<vmem>>[vector<16xi32>], vector<16xf32>,
      %mul3A_163 = arith.mulf %gather3A_162, %get3A_16 : vector<16xf32>
      %add3A_164 = arith.addf %get3A_12, %mul3A_163 : vector<16xf32>
      %add3A_165 = arith.constant 16 : i32
      %add3A_166 = vector.broadcast %add3A_165 : i32 to vector<16xi32>
      %add3A_167 = arith.addi %add3A_161, %add3A_166 : vector<16xi32>
      %gather3A_168 = tpu.vector_load_idx %arg17[%add3A_167] : memref<64xf32, #tpu.memory_space<vmem>>[vector<16xi32>], vector<16xf32>,
      %mul3A_169 = arith.mulf %gather3A_168, %get3A_20 : vector<16xf32>
      %add3A_170 = arith.addf %add3A_164, %mul3A_169 : vector<16xf32>
      %add3A_171 = arith.constant 32 : i32
      %add3A_172 = vector.broadcast %add3A_171 : i32 to vector<16xi32>
      %add3A_173 = arith.addi %add3A_161, %add3A_172 : vector<16xi32>
      %gather3A_174 = tpu.vector_load_idx %arg17[%add3A_173] : memref<64xf32, #tpu.memory_space<vmem>>[vector<16xi32>], vector<16xf32>,
      %mul3A_175 = arith.mulf %gather3A_174, %get3A_24 : vector<16xf32>
      %add3A_176 = arith.addf %add3A_170, %mul3A_175 : vector<16xf32>
      %add3A_177 = arith.constant 48 : i32
      %add3A_178 = vector.broadcast %add3A_177 : i32 to vector<16xi32>
      %add3A_179 = arith.addi %add3A_161, %add3A_178 : vector<16xi32>
      %gather3A_180 = tpu.vector_load_idx %arg17[%add3A_179] : memref<64xf32, #tpu.memory_space<vmem>>[vector<16xi32>], vector<16xf32>,
      %mul3A_181 = arith.mulf %gather3A_180, %get3A_28 : vector<16xf32>
      %add3A_182 = arith.addf %add3A_176, %mul3A_181 : vector<16xf32>
      %max3A_183 = arith.constant 0.000000e+00 : f32
      %max3A_184 = vector.broadcast %max3A_183 : f32 to vector<16xf32>
      %max3A_185 = arith.maximumf %add3A_182, %max3A_184 : vector<16xf32>
      %swap3A_186 = arith.index_cast %add3A_41 : i32 to index
      %swap3A_187 = arith.constant 32 : index
      %swap3A_188 = tpu.vector_load %arg18[%swap3A_186, %swap3A_187] {strides = array<i32>} : memref<44x64xf32, #tpu.memory_space<vmem>>, vector<16xf32>,
      tpu.vector_store %arg18[%swap3A_186, %swap3A_187], %max3A_185 {strides = array<i32>} : memref<44x64xf32, #tpu.memory_space<vmem>>, vector<16xf32>,
      %add3A_189 = arith.constant 6 : i32
      %add3A_190 = vector.broadcast %add3A_189 : i32 to vector<16xi32>
      %add3A_191 = arith.addi %shift_right_logical3A_6, %add3A_190 : vector<16xi32>
      %gather3A_192 = tpu.vector_load_idx %arg17[%add3A_191] : memref<64xf32, #tpu.memory_space<vmem>>[vector<16xi32>], vector<16xf32>,
      %mul3A_193 = arith.mulf %gather3A_192, %get3A_16 : vector<16xf32>
      %add3A_194 = arith.addf %get3A_12, %mul3A_193 : vector<16xf32>
      %add3A_195 = arith.constant 16 : i32
      %add3A_196 = vector.broadcast %add3A_195 : i32 to vector<16xi32>
      %add3A_197 = arith.addi %add3A_191, %add3A_196 : vector<16xi32>
      %gather3A_198 = tpu.vector_load_idx %arg17[%add3A_197] : memref<64xf32, #tpu.memory_space<vmem>>[vector<16xi32>], vector<16xf32>,
      %mul3A_199 = arith.mulf %gather3A_198, %get3A_20 : vector<16xf32>
      %add3A_200 = arith.addf %add3A_194, %mul3A_199 : vector<16xf32>
      %add3A_201 = arith.constant 32 : i32
      %add3A_202 = vector.broadcast %add3A_201 : i32 to vector<16xi32>
      %add3A_203 = arith.addi %add3A_191, %add3A_202 : vector<16xi32>
      %gather3A_204 = tpu.vector_load_idx %arg17[%add3A_203] : memref<64xf32, #tpu.memory_space<vmem>>[vector<16xi32>], vector<16xf32>,
      %mul3A_205 = arith.mulf %gather3A_204, %get3A_24 : vector<16xf32>
      %add3A_206 = arith.addf %add3A_200, %mul3A_205 : vector<16xf32>
      %add3A_207 = arith.constant 48 : i32
      %add3A_208 = vector.broadcast %add3A_207 : i32 to vector<16xi32>
      %add3A_209 = arith.addi %add3A_191, %add3A_208 : vector<16xi32>
      %gather3A_210 = tpu.vector_load_idx %arg17[%add3A_209] : memref<64xf32, #tpu.memory_space<vmem>>[vector<16xi32>], vector<16xf32>,
      %mul3A_211 = arith.mulf %gather3A_210, %get3A_28 : vector<16xf32>
      %add3A_212 = arith.addf %add3A_206, %mul3A_211 : vector<16xf32>
      %max3A_213 = arith.constant 0.000000e+00 : f32
      %max3A_214 = vector.broadcast %max3A_213 : f32 to vector<16xf32>
      %max3A_215 = arith.maximumf %add3A_212, %max3A_214 : vector<16xf32>
      %swap3A_216 = arith.index_cast %add3A_41 : i32 to index
      %swap3A_217 = arith.constant 48 : index
      %swap3A_218 = tpu.vector_load %arg18[%swap3A_216, %swap3A_217] {strides = array<i32>} : memref<44x64xf32, #tpu.memory_space<vmem>>, vector<16xf32>,
      tpu.vector_store %arg18[%swap3A_216, %swap3A_217], %max3A_215 {strides = array<i32>} : memref<44x64xf32, #tpu.memory_space<vmem>>, vector<16xf32>,
      %gather3A_219 = tpu.vector_load_idx %arg11[%scan3A_84#3] : memref<2048xf32, #tpu.memory_space<vmem>>[vector<16xi32>], vector<16xf32>,
      %gather3A_220 = tpu.vector_load_idx %arg12[%scan3A_84#3] : memref<2048xf32, #tpu.memory_space<vmem>>[vector<16xi32>], vector<16xf32>,
      %gather3A_221 = tpu.vector_load_idx %arg13[%scan3A_84#3] : memref<2048xf32, #tpu.memory_space<vmem>>[vector<16xi32>], vector<16xf32>,
      %gather3A_222 = tpu.vector_load_idx %arg14[%scan3A_84#3] : memref<2048xf32, #tpu.memory_space<vmem>>[vector<16xi32>], vector<16xf32>,
      %sub3A_223 = arith.subf %gather3A_219, %gather3A_61 : vector<16xf32>
      %swap3A_224 = arith.constant 0 : index
      %swap3A_225 = tpu.vector_load %arg17[%swap3A_224] {strides = array<i32>} : memref<64xf32, #tpu.memory_space<vmem>>, vector<16xf32>,
      tpu.vector_store %arg17[%swap3A_224], %sub3A_223 {strides = array<i32>} : memref<64xf32, #tpu.memory_space<vmem>>, vector<16xf32>,
      %sub3A_226 = arith.subf %gather3A_220, %gather3A_65 : vector<16xf32>
      %swap3A_227 = arith.constant 16 : index
      %swap3A_228 = tpu.vector_load %arg17[%swap3A_227] {strides = array<i32>} : memref<64xf32, #tpu.memory_space<vmem>>, vector<16xf32>,
      tpu.vector_store %arg17[%swap3A_227], %sub3A_226 {strides = array<i32>} : memref<64xf32, #tpu.memory_space<vmem>>, vector<16xf32>,
      %sub3A_229 = arith.subf %gather3A_221, %gather3A_69 : vector<16xf32>
      %swap3A_230 = arith.constant 32 : index
      %swap3A_231 = tpu.vector_load %arg17[%swap3A_230] {strides = array<i32>} : memref<64xf32, #tpu.memory_space<vmem>>, vector<16xf32>,
      tpu.vector_store %arg17[%swap3A_230], %sub3A_229 {strides = array<i32>} : memref<64xf32, #tpu.memory_space<vmem>>, vector<16xf32>,
      %sub3A_232 = arith.subf %gather3A_222, %gather3A_73 : vector<16xf32>
      %swap3A_233 = arith.constant 48 : index
      %swap3A_234 = tpu.vector_load %arg17[%swap3A_233] {strides = array<i32>} : memref<64xf32, #tpu.memory_space<vmem>>, vector<16xf32>,
      tpu.vector_store %arg17[%swap3A_233], %sub3A_232 {strides = array<i32>} : memref<64xf32, #tpu.memory_space<vmem>>, vector<16xf32>,
      %add3A_235 = arith.constant 0 : i32
      %add3A_236 = vector.broadcast %add3A_235 : i32 to vector<16xi32>
      %add3A_237 = arith.addi %shift_right_logical3A_6, %add3A_236 : vector<16xi32>
      %gather3A_238 = tpu.vector_load_idx %arg17[%add3A_237] : memref<64xf32, #tpu.memory_space<vmem>>[vector<16xi32>], vector<16xf32>,
      %mul3A_239 = arith.mulf %gather3A_238, %get3A_16 : vector<16xf32>
      %add3A_240 = arith.addf %get3A_12, %mul3A_239 : vector<16xf32>
      %add3A_241 = arith.constant 16 : i32
      %add3A_242 = vector.broadcast %add3A_241 : i32 to vector<16xi32>
      %add3A_243 = arith.addi %add3A_237, %add3A_242 : vector<16xi32>
      %gather3A_244 = tpu.vector_load_idx %arg17[%add3A_243] : memref<64xf32, #tpu.memory_space<vmem>>[vector<16xi32>], vector<16xf32>,
      %mul3A_245 = arith.mulf %gather3A_244, %get3A_20 : vector<16xf32>
      %add3A_246 = arith.addf %add3A_240, %mul3A_245 : vector<16xf32>
      %add3A_247 = arith.constant 32 : i32
      %add3A_248 = vector.broadcast %add3A_247 : i32 to vector<16xi32>
      %add3A_249 = arith.addi %add3A_237, %add3A_248 : vector<16xi32>
      %gather3A_250 = tpu.vector_load_idx %arg17[%add3A_249] : memref<64xf32, #tpu.memory_space<vmem>>[vector<16xi32>], vector<16xf32>,
      %mul3A_251 = arith.mulf %gather3A_250, %get3A_24 : vector<16xf32>
      %add3A_252 = arith.addf %add3A_246, %mul3A_251 : vector<16xf32>
      %add3A_253 = arith.constant 48 : i32
      %add3A_254 = vector.broadcast %add3A_253 : i32 to vector<16xi32>
      %add3A_255 = arith.addi %add3A_237, %add3A_254 : vector<16xi32>
      %gather3A_256 = tpu.vector_load_idx %arg17[%add3A_255] : memref<64xf32, #tpu.memory_space<vmem>>[vector<16xi32>], vector<16xf32>,
      %mul3A_257 = arith.mulf %gather3A_256, %get3A_28 : vector<16xf32>
      %add3A_258 = arith.addf %add3A_252, %mul3A_257 : vector<16xf32>
      %max3A_259 = arith.constant 0.000000e+00 : f32
      %max3A_260 = vector.broadcast %max3A_259 : f32 to vector<16xf32>
      %max3A_261 = arith.maximumf %add3A_258, %max3A_260 : vector<16xf32>
      %swap3A_262 = arith.index_cast %add3A_45 : i32 to index
      %swap3A_263 = arith.constant 0 : index
      %swap3A_264 = tpu.vector_load %arg18[%swap3A_262, %swap3A_263] {strides = array<i32>} : memref<44x64xf32, #tpu.memory_space<vmem>>, vector<16xf32>,
      tpu.vector_store %arg18[%swap3A_262, %swap3A_263], %max3A_261 {strides = array<i32>} : memref<44x64xf32, #tpu.memory_space<vmem>>, vector<16xf32>,
      %add3A_265 = arith.constant 2 : i32
      %add3A_266 = vector.broadcast %add3A_265 : i32 to vector<16xi32>
      %add3A_267 = arith.addi %shift_right_logical3A_6, %add3A_266 : vector<16xi32>
      %gather3A_268 = tpu.vector_load_idx %arg17[%add3A_267] : memref<64xf32, #tpu.memory_space<vmem>>[vector<16xi32>], vector<16xf32>,
      %mul3A_269 = arith.mulf %gather3A_268, %get3A_16 : vector<16xf32>
      %add3A_270 = arith.addf %get3A_12, %mul3A_269 : vector<16xf32>
      %add3A_271 = arith.constant 16 : i32
      %add3A_272 = vector.broadcast %add3A_271 : i32 to vector<16xi32>
      %add3A_273 = arith.addi %add3A_267, %add3A_272 : vector<16xi32>
      %gather3A_274 = tpu.vector_load_idx %arg17[%add3A_273] : memref<64xf32, #tpu.memory_space<vmem>>[vector<16xi32>], vector<16xf32>,
      %mul3A_275 = arith.mulf %gather3A_274, %get3A_20 : vector<16xf32>
      %add3A_276 = arith.addf %add3A_270, %mul3A_275 : vector<16xf32>
      %add3A_277 = arith.constant 32 : i32
      %add3A_278 = vector.broadcast %add3A_277 : i32 to vector<16xi32>
      %add3A_279 = arith.addi %add3A_267, %add3A_278 : vector<16xi32>
      %gather3A_280 = tpu.vector_load_idx %arg17[%add3A_279] : memref<64xf32, #tpu.memory_space<vmem>>[vector<16xi32>], vector<16xf32>,
      %mul3A_281 = arith.mulf %gather3A_280, %get3A_24 : vector<16xf32>
      %add3A_282 = arith.addf %add3A_276, %mul3A_281 : vector<16xf32>
      %add3A_283 = arith.constant 48 : i32
      %add3A_284 = vector.broadcast %add3A_283 : i32 to vector<16xi32>
      %add3A_285 = arith.addi %add3A_267, %add3A_284 : vector<16xi32>
      %gather3A_286 = tpu.vector_load_idx %arg17[%add3A_285] : memref<64xf32, #tpu.memory_space<vmem>>[vector<16xi32>], vector<16xf32>,
      %mul3A_287 = arith.mulf %gather3A_286, %get3A_28 : vector<16xf32>
      %add3A_288 = arith.addf %add3A_282, %mul3A_287 : vector<16xf32>
      %max3A_289 = arith.constant 0.000000e+00 : f32
      %max3A_290 = vector.broadcast %max3A_289 : f32 to vector<16xf32>
      %max3A_291 = arith.maximumf %add3A_288, %max3A_290 : vector<16xf32>
      %swap3A_292 = arith.index_cast %add3A_45 : i32 to index
      %swap3A_293 = arith.constant 16 : index
      %swap3A_294 = tpu.vector_load %arg18[%swap3A_292, %swap3A_293] {strides = array<i32>} : memref<44x64xf32, #tpu.memory_space<vmem>>, vector<16xf32>,
      tpu.vector_store %arg18[%swap3A_292, %swap3A_293], %max3A_291 {strides = array<i32>} : memref<44x64xf32, #tpu.memory_space<vmem>>, vector<16xf32>,
      %add3A_295 = arith.constant 4 : i32
      %add3A_296 = vector.broadcast %add3A_295 : i32 to vector<16xi32>
      %add3A_297 = arith.addi %shift_right_logical3A_6, %add3A_296 : vector<16xi32>
      %gather3A_298 = tpu.vector_load_idx %arg17[%add3A_297] : memref<64xf32, #tpu.memory_space<vmem>>[vector<16xi32>], vector<16xf32>,
      %mul3A_299 = arith.mulf %gather3A_298, %get3A_16 : vector<16xf32>
      %add3A_300 = arith.addf %get3A_12, %mul3A_299 : vector<16xf32>
      %add3A_301 = arith.constant 16 : i32
      %add3A_302 = vector.broadcast %add3A_301 : i32 to vector<16xi32>
      %add3A_303 = arith.addi %add3A_297, %add3A_302 : vector<16xi32>
      %gather3A_304 = tpu.vector_load_idx %arg17[%add3A_303] : memref<64xf32, #tpu.memory_space<vmem>>[vector<16xi32>], vector<16xf32>,
      %mul3A_305 = arith.mulf %gather3A_304, %get3A_20 : vector<16xf32>
      %add3A_306 = arith.addf %add3A_300, %mul3A_305 : vector<16xf32>
      %add3A_307 = arith.constant 32 : i32
      %add3A_308 = vector.broadcast %add3A_307 : i32 to vector<16xi32>
      %add3A_309 = arith.addi %add3A_297, %add3A_308 : vector<16xi32>
      %gather3A_310 = tpu.vector_load_idx %arg17[%add3A_309] : memref<64xf32, #tpu.memory_space<vmem>>[vector<16xi32>], vector<16xf32>,
      %mul3A_311 = arith.mulf %gather3A_310, %get3A_24 : vector<16xf32>
      %add3A_312 = arith.addf %add3A_306, %mul3A_311 : vector<16xf32>
      %add3A_313 = arith.constant 48 : i32
      %add3A_314 = vector.broadcast %add3A_313 : i32 to vector<16xi32>
      %add3A_315 = arith.addi %add3A_297, %add3A_314 : vector<16xi32>
      %gather3A_316 = tpu.vector_load_idx %arg17[%add3A_315] : memref<64xf32, #tpu.memory_space<vmem>>[vector<16xi32>], vector<16xf32>,
      %mul3A_317 = arith.mulf %gather3A_316, %get3A_28 : vector<16xf32>
      %add3A_318 = arith.addf %add3A_312, %mul3A_317 : vector<16xf32>
      %max3A_319 = arith.constant 0.000000e+00 : f32
      %max3A_320 = vector.broadcast %max3A_319 : f32 to vector<16xf32>
      %max3A_321 = arith.maximumf %add3A_318, %max3A_320 : vector<16xf32>
      %swap3A_322 = arith.index_cast %add3A_45 : i32 to index
      %swap3A_323 = arith.constant 32 : index
      %swap3A_324 = tpu.vector_load %arg18[%swap3A_322, %swap3A_323] {strides = array<i32>} : memref<44x64xf32, #tpu.memory_space<vmem>>, vector<16xf32>,
      tpu.vector_store %arg18[%swap3A_322, %swap3A_323], %max3A_321 {strides = array<i32>} : memref<44x64xf32, #tpu.memory_space<vmem>>, vector<16xf32>,
      %add3A_325 = arith.constant 6 : i32
      %add3A_326 = vector.broadcast %add3A_325 : i32 to vector<16xi32>
      %add3A_327 = arith.addi %shift_right_logical3A_6, %add3A_326 : vector<16xi32>
      %gather3A_328 = tpu.vector_load_idx %arg17[%add3A_327] : memref<64xf32, #tpu.memory_space<vmem>>[vector<16xi32>], vector<16xf32>,
      %mul3A_329 = arith.mulf %gather3A_328, %get3A_16 : vector<16xf32>
      %add3A_330 = arith.addf %get3A_12, %mul3A_329 : vector<16xf32>
      %add3A_331 = arith.constant 16 : i32
      %add3A_332 = vector.broadcast %add3A_331 : i32 to vector<16xi32>
      %add3A_333 = arith.addi %add3A_327, %add3A_332 : vector<16xi32>
      %gather3A_334 = tpu.vector_load_idx %arg17[%add3A_333] : memref<64xf32, #tpu.memory_space<vmem>>[vector<16xi32>], vector<16xf32>,
      %mul3A_335 = arith.mulf %gather3A_334, %get3A_20 : vector<16xf32>
      %add3A_336 = arith.addf %add3A_330, %mul3A_335 : vector<16xf32>
      %add3A_337 = arith.constant 32 : i32
      %add3A_338 = vector.broadcast %add3A_337 : i32 to vector<16xi32>
      %add3A_339 = arith.addi %add3A_327, %add3A_338 : vector<16xi32>
      %gather3A_340 = tpu.vector_load_idx %arg17[%add3A_339] : memref<64xf32, #tpu.memory_space<vmem>>[vector<16xi32>], vector<16xf32>,
      %mul3A_341 = arith.mulf %gather3A_340, %get3A_24 : vector<16xf32>
      %add3A_342 = arith.addf %add3A_336, %mul3A_341 : vector<16xf32>
      %add3A_343 = arith.constant 48 : i32
      %add3A_344 = vector.broadcast %add3A_343 : i32 to vector<16xi32>
      %add3A_345 = arith.addi %add3A_327, %add3A_344 : vector<16xi32>
      %gather3A_346 = tpu.vector_load_idx %arg17[%add3A_345] : memref<64xf32, #tpu.memory_space<vmem>>[vector<16xi32>], vector<16xf32>,
      %mul3A_347 = arith.mulf %gather3A_346, %get3A_28 : vector<16xf32>
      %add3A_348 = arith.addf %add3A_342, %mul3A_347 : vector<16xf32>
      %max3A_349 = arith.constant 0.000000e+00 : f32
      %max3A_350 = vector.broadcast %max3A_349 : f32 to vector<16xf32>
      %max3A_351 = arith.maximumf %add3A_348, %max3A_350 : vector<16xf32>
      %swap3A_352 = arith.index_cast %add3A_45 : i32 to index
      %swap3A_353 = arith.constant 48 : index
      %swap3A_354 = tpu.vector_load %arg18[%swap3A_352, %swap3A_353] {strides = array<i32>} : memref<44x64xf32, #tpu.memory_space<vmem>>, vector<16xf32>,
      tpu.vector_store %arg18[%swap3A_352, %swap3A_353], %max3A_351 {strides = array<i32>} : memref<44x64xf32, #tpu.memory_space<vmem>>, vector<16xf32>,
      %gather3A_355 = tpu.vector_load_idx %arg11[%scan3A_84#5] : memref<2048xf32, #tpu.memory_space<vmem>>[vector<16xi32>], vector<16xf32>,
      %gather3A_356 = tpu.vector_load_idx %arg12[%scan3A_84#5] : memref<2048xf32, #tpu.memory_space<vmem>>[vector<16xi32>], vector<16xf32>,
      %gather3A_357 = tpu.vector_load_idx %arg13[%scan3A_84#5] : memref<2048xf32, #tpu.memory_space<vmem>>[vector<16xi32>], vector<16xf32>,
      %gather3A_358 = tpu.vector_load_idx %arg14[%scan3A_84#5] : memref<2048xf32, #tpu.memory_space<vmem>>[vector<16xi32>], vector<16xf32>,
      %sub3A_359 = arith.subf %gather3A_355, %gather3A_62 : vector<16xf32>
      %swap3A_360 = arith.constant 0 : index
      %swap3A_361 = tpu.vector_load %arg17[%swap3A_360] {strides = array<i32>} : memref<64xf32, #tpu.memory_space<vmem>>, vector<16xf32>,
      tpu.vector_store %arg17[%swap3A_360], %sub3A_359 {strides = array<i32>} : memref<64xf32, #tpu.memory_space<vmem>>, vector<16xf32>,
      %sub3A_362 = arith.subf %gather3A_356, %gather3A_66 : vector<16xf32>
      %swap3A_363 = arith.constant 16 : index
      %swap3A_364 = tpu.vector_load %arg17[%swap3A_363] {strides = array<i32>} : memref<64xf32, #tpu.memory_space<vmem>>, vector<16xf32>,
      tpu.vector_store %arg17[%swap3A_363], %sub3A_362 {strides = array<i32>} : memref<64xf32, #tpu.memory_space<vmem>>, vector<16xf32>,
      %sub3A_365 = arith.subf %gather3A_357, %gather3A_70 : vector<16xf32>
      %swap3A_366 = arith.constant 32 : index
      %swap3A_367 = tpu.vector_load %arg17[%swap3A_366] {strides = array<i32>} : memref<64xf32, #tpu.memory_space<vmem>>, vector<16xf32>,
      tpu.vector_store %arg17[%swap3A_366], %sub3A_365 {strides = array<i32>} : memref<64xf32, #tpu.memory_space<vmem>>, vector<16xf32>,
      %sub3A_368 = arith.subf %gather3A_358, %gather3A_74 : vector<16xf32>
      %swap3A_369 = arith.constant 48 : index
      %swap3A_370 = tpu.vector_load %arg17[%swap3A_369] {strides = array<i32>} : memref<64xf32, #tpu.memory_space<vmem>>, vector<16xf32>,
      tpu.vector_store %arg17[%swap3A_369], %sub3A_368 {strides = array<i32>} : memref<64xf32, #tpu.memory_space<vmem>>, vector<16xf32>,
      %add3A_371 = arith.constant 0 : i32
      %add3A_372 = vector.broadcast %add3A_371 : i32 to vector<16xi32>
      %add3A_373 = arith.addi %shift_right_logical3A_6, %add3A_372 : vector<16xi32>
      %gather3A_374 = tpu.vector_load_idx %arg17[%add3A_373] : memref<64xf32, #tpu.memory_space<vmem>>[vector<16xi32>], vector<16xf32>,
      %mul3A_375 = arith.mulf %gather3A_374, %get3A_16 : vector<16xf32>
      %add3A_376 = arith.addf %get3A_12, %mul3A_375 : vector<16xf32>
      %add3A_377 = arith.constant 16 : i32
      %add3A_378 = vector.broadcast %add3A_377 : i32 to vector<16xi32>
      %add3A_379 = arith.addi %add3A_373, %add3A_378 : vector<16xi32>
      %gather3A_380 = tpu.vector_load_idx %arg17[%add3A_379] : memref<64xf32, #tpu.memory_space<vmem>>[vector<16xi32>], vector<16xf32>,
      %mul3A_381 = arith.mulf %gather3A_380, %get3A_20 : vector<16xf32>
      %add3A_382 = arith.addf %add3A_376, %mul3A_381 : vector<16xf32>
      %add3A_383 = arith.constant 32 : i32
      %add3A_384 = vector.broadcast %add3A_383 : i32 to vector<16xi32>
      %add3A_385 = arith.addi %add3A_373, %add3A_384 : vector<16xi32>
      %gather3A_386 = tpu.vector_load_idx %arg17[%add3A_385] : memref<64xf32, #tpu.memory_space<vmem>>[vector<16xi32>], vector<16xf32>,
      %mul3A_387 = arith.mulf %gather3A_386, %get3A_24 : vector<16xf32>
      %add3A_388 = arith.addf %add3A_382, %mul3A_387 : vector<16xf32>
      %add3A_389 = arith.constant 48 : i32
      %add3A_390 = vector.broadcast %add3A_389 : i32 to vector<16xi32>
      %add3A_391 = arith.addi %add3A_373, %add3A_390 : vector<16xi32>
      %gather3A_392 = tpu.vector_load_idx %arg17[%add3A_391] : memref<64xf32, #tpu.memory_space<vmem>>[vector<16xi32>], vector<16xf32>,
      %mul3A_393 = arith.mulf %gather3A_392, %get3A_28 : vector<16xf32>
      %add3A_394 = arith.addf %add3A_388, %mul3A_393 : vector<16xf32>
      %max3A_395 = arith.constant 0.000000e+00 : f32
      %max3A_396 = vector.broadcast %max3A_395 : f32 to vector<16xf32>
      %max3A_397 = arith.maximumf %add3A_394, %max3A_396 : vector<16xf32>
      %swap3A_398 = arith.index_cast %add3A_49 : i32 to index
      %swap3A_399 = arith.constant 0 : index
      %swap3A_400 = tpu.vector_load %arg18[%swap3A_398, %swap3A_399] {strides = array<i32>} : memref<44x64xf32, #tpu.memory_space<vmem>>, vector<16xf32>,
      tpu.vector_store %arg18[%swap3A_398, %swap3A_399], %max3A_397 {strides = array<i32>} : memref<44x64xf32, #tpu.memory_space<vmem>>, vector<16xf32>,
      %add3A_401 = arith.constant 2 : i32
      %add3A_402 = vector.broadcast %add3A_401 : i32 to vector<16xi32>
      %add3A_403 = arith.addi %shift_right_logical3A_6, %add3A_402 : vector<16xi32>
      %gather3A_404 = tpu.vector_load_idx %arg17[%add3A_403] : memref<64xf32, #tpu.memory_space<vmem>>[vector<16xi32>], vector<16xf32>,
      %mul3A_405 = arith.mulf %gather3A_404, %get3A_16 : vector<16xf32>
      %add3A_406 = arith.addf %get3A_12, %mul3A_405 : vector<16xf32>
      %add3A_407 = arith.constant 16 : i32
      %add3A_408 = vector.broadcast %add3A_407 : i32 to vector<16xi32>
      %add3A_409 = arith.addi %add3A_403, %add3A_408 : vector<16xi32>
      %gather3A_410 = tpu.vector_load_idx %arg17[%add3A_409] : memref<64xf32, #tpu.memory_space<vmem>>[vector<16xi32>], vector<16xf32>,
      %mul3A_411 = arith.mulf %gather3A_410, %get3A_20 : vector<16xf32>
      %add3A_412 = arith.addf %add3A_406, %mul3A_411 : vector<16xf32>
      %add3A_413 = arith.constant 32 : i32
      %add3A_414 = vector.broadcast %add3A_413 : i32 to vector<16xi32>
      %add3A_415 = arith.addi %add3A_403, %add3A_414 : vector<16xi32>
      %gather3A_416 = tpu.vector_load_idx %arg17[%add3A_415] : memref<64xf32, #tpu.memory_space<vmem>>[vector<16xi32>], vector<16xf32>,
      %mul3A_417 = arith.mulf %gather3A_416, %get3A_24 : vector<16xf32>
      %add3A_418 = arith.addf %add3A_412, %mul3A_417 : vector<16xf32>
      %add3A_419 = arith.constant 48 : i32
      %add3A_420 = vector.broadcast %add3A_419 : i32 to vector<16xi32>
      %add3A_421 = arith.addi %add3A_403, %add3A_420 : vector<16xi32>
      %gather3A_422 = tpu.vector_load_idx %arg17[%add3A_421] : memref<64xf32, #tpu.memory_space<vmem>>[vector<16xi32>], vector<16xf32>,
      %mul3A_423 = arith.mulf %gather3A_422, %get3A_28 : vector<16xf32>
      %add3A_424 = arith.addf %add3A_418, %mul3A_423 : vector<16xf32>
      %max3A_425 = arith.constant 0.000000e+00 : f32
      %max3A_426 = vector.broadcast %max3A_425 : f32 to vector<16xf32>
      %max3A_427 = arith.maximumf %add3A_424, %max3A_426 : vector<16xf32>
      %swap3A_428 = arith.index_cast %add3A_49 : i32 to index
      %swap3A_429 = arith.constant 16 : index
      %swap3A_430 = tpu.vector_load %arg18[%swap3A_428, %swap3A_429] {strides = array<i32>} : memref<44x64xf32, #tpu.memory_space<vmem>>, vector<16xf32>,
      tpu.vector_store %arg18[%swap3A_428, %swap3A_429], %max3A_427 {strides = array<i32>} : memref<44x64xf32, #tpu.memory_space<vmem>>, vector<16xf32>,
      %add3A_431 = arith.constant 4 : i32
      %add3A_432 = vector.broadcast %add3A_431 : i32 to vector<16xi32>
      %add3A_433 = arith.addi %shift_right_logical3A_6, %add3A_432 : vector<16xi32>
      %gather3A_434 = tpu.vector_load_idx %arg17[%add3A_433] : memref<64xf32, #tpu.memory_space<vmem>>[vector<16xi32>], vector<16xf32>,
      %mul3A_435 = arith.mulf %gather3A_434, %get3A_16 : vector<16xf32>
      %add3A_436 = arith.addf %get3A_12, %mul3A_435 : vector<16xf32>
      %add3A_437 = arith.constant 16 : i32
      %add3A_438 = vector.broadcast %add3A_437 : i32 to vector<16xi32>
      %add3A_439 = arith.addi %add3A_433, %add3A_438 : vector<16xi32>
      %gather3A_440 = tpu.vector_load_idx %arg17[%add3A_439] : memref<64xf32, #tpu.memory_space<vmem>>[vector<16xi32>], vector<16xf32>,
      %mul3A_441 = arith.mulf %gather3A_440, %get3A_20 : vector<16xf32>
      %add3A_442 = arith.addf %add3A_436, %mul3A_441 : vector<16xf32>
      %add3A_443 = arith.constant 32 : i32
      %add3A_444 = vector.broadcast %add3A_443 : i32 to vector<16xi32>
      %add3A_445 = arith.addi %add3A_433, %add3A_444 : vector<16xi32>
      %gather3A_446 = tpu.vector_load_idx %arg17[%add3A_445] : memref<64xf32, #tpu.memory_space<vmem>>[vector<16xi32>], vector<16xf32>,
      %mul3A_447 = arith.mulf %gather3A_446, %get3A_24 : vector<16xf32>
      %add3A_448 = arith.addf %add3A_442, %mul3A_447 : vector<16xf32>
      %add3A_449 = arith.constant 48 : i32
      %add3A_450 = vector.broadcast %add3A_449 : i32 to vector<16xi32>
      %add3A_451 = arith.addi %add3A_433, %add3A_450 : vector<16xi32>
      %gather3A_452 = tpu.vector_load_idx %arg17[%add3A_451] : memref<64xf32, #tpu.memory_space<vmem>>[vector<16xi32>], vector<16xf32>,
      %mul3A_453 = arith.mulf %gather3A_452, %get3A_28 : vector<16xf32>
      %add3A_454 = arith.addf %add3A_448, %mul3A_453 : vector<16xf32>
      %max3A_455 = arith.constant 0.000000e+00 : f32
      %max3A_456 = vector.broadcast %max3A_455 : f32 to vector<16xf32>
      %max3A_457 = arith.maximumf %add3A_454, %max3A_456 : vector<16xf32>
      %swap3A_458 = arith.index_cast %add3A_49 : i32 to index
      %swap3A_459 = arith.constant 32 : index
      %swap3A_460 = tpu.vector_load %arg18[%swap3A_458, %swap3A_459] {strides = array<i32>} : memref<44x64xf32, #tpu.memory_space<vmem>>, vector<16xf32>,
      tpu.vector_store %arg18[%swap3A_458, %swap3A_459], %max3A_457 {strides = array<i32>} : memref<44x64xf32, #tpu.memory_space<vmem>>, vector<16xf32>,
      %add3A_461 = arith.constant 6 : i32
      %add3A_462 = vector.broadcast %add3A_461 : i32 to vector<16xi32>
      %add3A_463 = arith.addi %shift_right_logical3A_6, %add3A_462 : vector<16xi32>
      %gather3A_464 = tpu.vector_load_idx %arg17[%add3A_463] : memref<64xf32, #tpu.memory_space<vmem>>[vector<16xi32>], vector<16xf32>,
      %mul3A_465 = arith.mulf %gather3A_464, %get3A_16 : vector<16xf32>
      %add3A_466 = arith.addf %get3A_12, %mul3A_465 : vector<16xf32>
      %add3A_467 = arith.constant 16 : i32
      %add3A_468 = vector.broadcast %add3A_467 : i32 to vector<16xi32>
      %add3A_469 = arith.addi %add3A_463, %add3A_468 : vector<16xi32>
      %gather3A_470 = tpu.vector_load_idx %arg17[%add3A_469] : memref<64xf32, #tpu.memory_space<vmem>>[vector<16xi32>], vector<16xf32>,
      %mul3A_471 = arith.mulf %gather3A_470, %get3A_20 : vector<16xf32>
      %add3A_472 = arith.addf %add3A_466, %mul3A_471 : vector<16xf32>
      %add3A_473 = arith.constant 32 : i32
      %add3A_474 = vector.broadcast %add3A_473 : i32 to vector<16xi32>
      %add3A_475 = arith.addi %add3A_463, %add3A_474 : vector<16xi32>
      %gather3A_476 = tpu.vector_load_idx %arg17[%add3A_475] : memref<64xf32, #tpu.memory_space<vmem>>[vector<16xi32>], vector<16xf32>,
      %mul3A_477 = arith.mulf %gather3A_476, %get3A_24 : vector<16xf32>
      %add3A_478 = arith.addf %add3A_472, %mul3A_477 : vector<16xf32>
      %add3A_479 = arith.constant 48 : i32
      %add3A_480 = vector.broadcast %add3A_479 : i32 to vector<16xi32>
      %add3A_481 = arith.addi %add3A_463, %add3A_480 : vector<16xi32>
      %gather3A_482 = tpu.vector_load_idx %arg17[%add3A_481] : memref<64xf32, #tpu.memory_space<vmem>>[vector<16xi32>], vector<16xf32>,
      %mul3A_483 = arith.mulf %gather3A_482, %get3A_28 : vector<16xf32>
      %add3A_484 = arith.addf %add3A_478, %mul3A_483 : vector<16xf32>
      %max3A_485 = arith.constant 0.000000e+00 : f32
      %max3A_486 = vector.broadcast %max3A_485 : f32 to vector<16xf32>
      %max3A_487 = arith.maximumf %add3A_484, %max3A_486 : vector<16xf32>
      %swap3A_488 = arith.index_cast %add3A_49 : i32 to index
      %swap3A_489 = arith.constant 48 : index
      %swap3A_490 = tpu.vector_load %arg18[%swap3A_488, %swap3A_489] {strides = array<i32>} : memref<44x64xf32, #tpu.memory_space<vmem>>, vector<16xf32>,
      tpu.vector_store %arg18[%swap3A_488, %swap3A_489], %max3A_487 {strides = array<i32>} : memref<44x64xf32, #tpu.memory_space<vmem>>, vector<16xf32>,
      %gather3A_491 = tpu.vector_load_idx %arg11[%scan3A_84#7] : memref<2048xf32, #tpu.memory_space<vmem>>[vector<16xi32>], vector<16xf32>,
      %gather3A_492 = tpu.vector_load_idx %arg12[%scan3A_84#7] : memref<2048xf32, #tpu.memory_space<vmem>>[vector<16xi32>], vector<16xf32>,
      %gather3A_493 = tpu.vector_load_idx %arg13[%scan3A_84#7] : memref<2048xf32, #tpu.memory_space<vmem>>[vector<16xi32>], vector<16xf32>,
      %gather3A_494 = tpu.vector_load_idx %arg14[%scan3A_84#7] : memref<2048xf32, #tpu.memory_space<vmem>>[vector<16xi32>], vector<16xf32>,
      %sub3A_495 = arith.subf %gather3A_491, %gather3A_63 : vector<16xf32>
      %swap3A_496 = arith.constant 0 : index
      %swap3A_497 = tpu.vector_load %arg17[%swap3A_496] {strides = array<i32>} : memref<64xf32, #tpu.memory_space<vmem>>, vector<16xf32>,
      tpu.vector_store %arg17[%swap3A_496], %sub3A_495 {strides = array<i32>} : memref<64xf32, #tpu.memory_space<vmem>>, vector<16xf32>,
      %sub3A_498 = arith.subf %gather3A_492, %gather3A_67 : vector<16xf32>
      %swap3A_499 = arith.constant 16 : index
      %swap3A_500 = tpu.vector_load %arg17[%swap3A_499] {strides = array<i32>} : memref<64xf32, #tpu.memory_space<vmem>>, vector<16xf32>,
      tpu.vector_store %arg17[%swap3A_499], %sub3A_498 {strides = array<i32>} : memref<64xf32, #tpu.memory_space<vmem>>, vector<16xf32>,
      %sub3A_501 = arith.subf %gather3A_493, %gather3A_71 : vector<16xf32>
      %swap3A_502 = arith.constant 32 : index
      %swap3A_503 = tpu.vector_load %arg17[%swap3A_502] {strides = array<i32>} : memref<64xf32, #tpu.memory_space<vmem>>, vector<16xf32>,
      tpu.vector_store %arg17[%swap3A_502], %sub3A_501 {strides = array<i32>} : memref<64xf32, #tpu.memory_space<vmem>>, vector<16xf32>,
      %sub3A_504 = arith.subf %gather3A_494, %gather3A_75 : vector<16xf32>
      %swap3A_505 = arith.constant 48 : index
      %swap3A_506 = tpu.vector_load %arg17[%swap3A_505] {strides = array<i32>} : memref<64xf32, #tpu.memory_space<vmem>>, vector<16xf32>,
      tpu.vector_store %arg17[%swap3A_505], %sub3A_504 {strides = array<i32>} : memref<64xf32, #tpu.memory_space<vmem>>, vector<16xf32>,
      %add3A_507 = arith.constant 0 : i32
      %add3A_508 = vector.broadcast %add3A_507 : i32 to vector<16xi32>
      %add3A_509 = arith.addi %shift_right_logical3A_6, %add3A_508 : vector<16xi32>
      %gather3A_510 = tpu.vector_load_idx %arg17[%add3A_509] : memref<64xf32, #tpu.memory_space<vmem>>[vector<16xi32>], vector<16xf32>,
      %mul3A_511 = arith.mulf %gather3A_510, %get3A_16 : vector<16xf32>
      %add3A_512 = arith.addf %get3A_12, %mul3A_511 : vector<16xf32>
      %add3A_513 = arith.constant 16 : i32
      %add3A_514 = vector.broadcast %add3A_513 : i32 to vector<16xi32>
      %add3A_515 = arith.addi %add3A_509, %add3A_514 : vector<16xi32>
      %gather3A_516 = tpu.vector_load_idx %arg17[%add3A_515] : memref<64xf32, #tpu.memory_space<vmem>>[vector<16xi32>], vector<16xf32>,
      %mul3A_517 = arith.mulf %gather3A_516, %get3A_20 : vector<16xf32>
      %add3A_518 = arith.addf %add3A_512, %mul3A_517 : vector<16xf32>
      %add3A_519 = arith.constant 32 : i32
      %add3A_520 = vector.broadcast %add3A_519 : i32 to vector<16xi32>
      %add3A_521 = arith.addi %add3A_509, %add3A_520 : vector<16xi32>
      %gather3A_522 = tpu.vector_load_idx %arg17[%add3A_521] : memref<64xf32, #tpu.memory_space<vmem>>[vector<16xi32>], vector<16xf32>,
      %mul3A_523 = arith.mulf %gather3A_522, %get3A_24 : vector<16xf32>
      %add3A_524 = arith.addf %add3A_518, %mul3A_523 : vector<16xf32>
      %add3A_525 = arith.constant 48 : i32
      %add3A_526 = vector.broadcast %add3A_525 : i32 to vector<16xi32>
      %add3A_527 = arith.addi %add3A_509, %add3A_526 : vector<16xi32>
      %gather3A_528 = tpu.vector_load_idx %arg17[%add3A_527] : memref<64xf32, #tpu.memory_space<vmem>>[vector<16xi32>], vector<16xf32>,
      %mul3A_529 = arith.mulf %gather3A_528, %get3A_28 : vector<16xf32>
      %add3A_530 = arith.addf %add3A_524, %mul3A_529 : vector<16xf32>
      %max3A_531 = arith.constant 0.000000e+00 : f32
      %max3A_532 = vector.broadcast %max3A_531 : f32 to vector<16xf32>
      %max3A_533 = arith.maximumf %add3A_530, %max3A_532 : vector<16xf32>
      %swap3A_534 = arith.index_cast %add3A_53 : i32 to index
      %swap3A_535 = arith.constant 0 : index
      %swap3A_536 = tpu.vector_load %arg18[%swap3A_534, %swap3A_535] {strides = array<i32>} : memref<44x64xf32, #tpu.memory_space<vmem>>, vector<16xf32>,
      tpu.vector_store %arg18[%swap3A_534, %swap3A_535], %max3A_533 {strides = array<i32>} : memref<44x64xf32, #tpu.memory_space<vmem>>, vector<16xf32>,
      %add3A_537 = arith.constant 2 : i32
      %add3A_538 = vector.broadcast %add3A_537 : i32 to vector<16xi32>
      %add3A_539 = arith.addi %shift_right_logical3A_6, %add3A_538 : vector<16xi32>
      %gather3A_540 = tpu.vector_load_idx %arg17[%add3A_539] : memref<64xf32, #tpu.memory_space<vmem>>[vector<16xi32>], vector<16xf32>,
      %mul3A_541 = arith.mulf %gather3A_540, %get3A_16 : vector<16xf32>
      %add3A_542 = arith.addf %get3A_12, %mul3A_541 : vector<16xf32>
      %add3A_543 = arith.constant 16 : i32
      %add3A_544 = vector.broadcast %add3A_543 : i32 to vector<16xi32>
      %add3A_545 = arith.addi %add3A_539, %add3A_544 : vector<16xi32>
      %gather3A_546 = tpu.vector_load_idx %arg17[%add3A_545] : memref<64xf32, #tpu.memory_space<vmem>>[vector<16xi32>], vector<16xf32>,
      %mul3A_547 = arith.mulf %gather3A_546, %get3A_20 : vector<16xf32>
      %add3A_548 = arith.addf %add3A_542, %mul3A_547 : vector<16xf32>
      %add3A_549 = arith.constant 32 : i32
      %add3A_550 = vector.broadcast %add3A_549 : i32 to vector<16xi32>
      %add3A_551 = arith.addi %add3A_539, %add3A_550 : vector<16xi32>
      %gather3A_552 = tpu.vector_load_idx %arg17[%add3A_551] : memref<64xf32, #tpu.memory_space<vmem>>[vector<16xi32>], vector<16xf32>,
      %mul3A_553 = arith.mulf %gather3A_552, %get3A_24 : vector<16xf32>
      %add3A_554 = arith.addf %add3A_548, %mul3A_553 : vector<16xf32>
      %add3A_555 = arith.constant 48 : i32
      %add3A_556 = vector.broadcast %add3A_555 : i32 to vector<16xi32>
      %add3A_557 = arith.addi %add3A_539, %add3A_556 : vector<16xi32>
      %gather3A_558 = tpu.vector_load_idx %arg17[%add3A_557] : memref<64xf32, #tpu.memory_space<vmem>>[vector<16xi32>], vector<16xf32>,
      %mul3A_559 = arith.mulf %gather3A_558, %get3A_28 : vector<16xf32>
      %add3A_560 = arith.addf %add3A_554, %mul3A_559 : vector<16xf32>
      %max3A_561 = arith.constant 0.000000e+00 : f32
      %max3A_562 = vector.broadcast %max3A_561 : f32 to vector<16xf32>
      %max3A_563 = arith.maximumf %add3A_560, %max3A_562 : vector<16xf32>
      %swap3A_564 = arith.index_cast %add3A_53 : i32 to index
      %swap3A_565 = arith.constant 16 : index
      %swap3A_566 = tpu.vector_load %arg18[%swap3A_564, %swap3A_565] {strides = array<i32>} : memref<44x64xf32, #tpu.memory_space<vmem>>, vector<16xf32>,
      tpu.vector_store %arg18[%swap3A_564, %swap3A_565], %max3A_563 {strides = array<i32>} : memref<44x64xf32, #tpu.memory_space<vmem>>, vector<16xf32>,
      %add3A_567 = arith.constant 4 : i32
      %add3A_568 = vector.broadcast %add3A_567 : i32 to vector<16xi32>
      %add3A_569 = arith.addi %shift_right_logical3A_6, %add3A_568 : vector<16xi32>
      %gather3A_570 = tpu.vector_load_idx %arg17[%add3A_569] : memref<64xf32, #tpu.memory_space<vmem>>[vector<16xi32>], vector<16xf32>,
      %mul3A_571 = arith.mulf %gather3A_570, %get3A_16 : vector<16xf32>
      %add3A_572 = arith.addf %get3A_12, %mul3A_571 : vector<16xf32>
      %add3A_573 = arith.constant 16 : i32
      %add3A_574 = vector.broadcast %add3A_573 : i32 to vector<16xi32>
      %add3A_575 = arith.addi %add3A_569, %add3A_574 : vector<16xi32>
      %gather3A_576 = tpu.vector_load_idx %arg17[%add3A_575] : memref<64xf32, #tpu.memory_space<vmem>>[vector<16xi32>], vector<16xf32>,
      %mul3A_577 = arith.mulf %gather3A_576, %get3A_20 : vector<16xf32>
      %add3A_578 = arith.addf %add3A_572, %mul3A_577 : vector<16xf32>
      %add3A_579 = arith.constant 32 : i32
      %add3A_580 = vector.broadcast %add3A_579 : i32 to vector<16xi32>
      %add3A_581 = arith.addi %add3A_569, %add3A_580 : vector<16xi32>
      %gather3A_582 = tpu.vector_load_idx %arg17[%add3A_581] : memref<64xf32, #tpu.memory_space<vmem>>[vector<16xi32>], vector<16xf32>,
      %mul3A_583 = arith.mulf %gather3A_582, %get3A_24 : vector<16xf32>
      %add3A_584 = arith.addf %add3A_578, %mul3A_583 : vector<16xf32>
      %add3A_585 = arith.constant 48 : i32
      %add3A_586 = vector.broadcast %add3A_585 : i32 to vector<16xi32>
      %add3A_587 = arith.addi %add3A_569, %add3A_586 : vector<16xi32>
      %gather3A_588 = tpu.vector_load_idx %arg17[%add3A_587] : memref<64xf32, #tpu.memory_space<vmem>>[vector<16xi32>], vector<16xf32>,
      %mul3A_589 = arith.mulf %gather3A_588, %get3A_28 : vector<16xf32>
      %add3A_590 = arith.addf %add3A_584, %mul3A_589 : vector<16xf32>
      %max3A_591 = arith.constant 0.000000e+00 : f32
      %max3A_592 = vector.broadcast %max3A_591 : f32 to vector<16xf32>
      %max3A_593 = arith.maximumf %add3A_590, %max3A_592 : vector<16xf32>
      %swap3A_594 = arith.index_cast %add3A_53 : i32 to index
      %swap3A_595 = arith.constant 32 : index
      %swap3A_596 = tpu.vector_load %arg18[%swap3A_594, %swap3A_595] {strides = array<i32>} : memref<44x64xf32, #tpu.memory_space<vmem>>, vector<16xf32>,
      tpu.vector_store %arg18[%swap3A_594, %swap3A_595], %max3A_593 {strides = array<i32>} : memref<44x64xf32, #tpu.memory_space<vmem>>, vector<16xf32>,
      %add3A_597 = arith.constant 6 : i32
      %add3A_598 = vector.broadcast %add3A_597 : i32 to vector<16xi32>
      %add3A_599 = arith.addi %shift_right_logical3A_6, %add3A_598 : vector<16xi32>
      %gather3A_600 = tpu.vector_load_idx %arg17[%add3A_599] : memref<64xf32, #tpu.memory_space<vmem>>[vector<16xi32>], vector<16xf32>,
      %mul3A_601 = arith.mulf %gather3A_600, %get3A_16 : vector<16xf32>
      %add3A_602 = arith.addf %get3A_12, %mul3A_601 : vector<16xf32>
      %add3A_603 = arith.constant 16 : i32
      %add3A_604 = vector.broadcast %add3A_603 : i32 to vector<16xi32>
      %add3A_605 = arith.addi %add3A_599, %add3A_604 : vector<16xi32>
      %gather3A_606 = tpu.vector_load_idx %arg17[%add3A_605] : memref<64xf32, #tpu.memory_space<vmem>>[vector<16xi32>], vector<16xf32>,
      %mul3A_607 = arith.mulf %gather3A_606, %get3A_20 : vector<16xf32>
      %add3A_608 = arith.addf %add3A_602, %mul3A_607 : vector<16xf32>
      %add3A_609 = arith.constant 32 : i32
      %add3A_610 = vector.broadcast %add3A_609 : i32 to vector<16xi32>
      %add3A_611 = arith.addi %add3A_599, %add3A_610 : vector<16xi32>
      %gather3A_612 = tpu.vector_load_idx %arg17[%add3A_611] : memref<64xf32, #tpu.memory_space<vmem>>[vector<16xi32>], vector<16xf32>,
      %mul3A_613 = arith.mulf %gather3A_612, %get3A_24 : vector<16xf32>
      %add3A_614 = arith.addf %add3A_608, %mul3A_613 : vector<16xf32>
      %add3A_615 = arith.constant 48 : i32
      %add3A_616 = vector.broadcast %add3A_615 : i32 to vector<16xi32>
      %add3A_617 = arith.addi %add3A_599, %add3A_616 : vector<16xi32>
      %gather3A_618 = tpu.vector_load_idx %arg17[%add3A_617] : memref<64xf32, #tpu.memory_space<vmem>>[vector<16xi32>], vector<16xf32>,
      %mul3A_619 = arith.mulf %gather3A_618, %get3A_28 : vector<16xf32>
      %add3A_620 = arith.addf %add3A_614, %mul3A_619 : vector<16xf32>
      %max3A_621 = arith.constant 0.000000e+00 : f32
      %max3A_622 = vector.broadcast %max3A_621 : f32 to vector<16xf32>
      %max3A_623 = arith.maximumf %add3A_620, %max3A_622 : vector<16xf32>
      %swap3A_624 = arith.index_cast %add3A_53 : i32 to index
      %swap3A_625 = arith.constant 48 : index
      %swap3A_626 = tpu.vector_load %arg18[%swap3A_624, %swap3A_625] {strides = array<i32>} : memref<44x64xf32, #tpu.memory_space<vmem>>, vector<16xf32>,
      tpu.vector_store %arg18[%swap3A_624, %swap3A_625], %max3A_623 {strides = array<i32>} : memref<44x64xf32, #tpu.memory_space<vmem>>, vector<16xf32>,
    }
    %scan3A_34 = arith.constant 11 : i32
    %mul3A_35 = arith.constant 44 : i32
    %mul3A_36 = arith.muli %add3A, %mul3A_35 : i32
    "tpu.region"() ({
      %run_scoped3A = tpu.sem_alloc : memref<!tpu.dma_semaphore, #tpu.memory_space<semaphore_mem>>
      %dma_start3A = arith.constant 0 : i32
      %dma_start3A_37 = tpu.memref_slice %arg8[%mul3A_36, %dma_start3A] : memref<1408x64xf32, #tpu.memory_space<hbm>> -> memref<44x64xf32, #tpu.memory_space<hbm>>
      %dma_start3A_38 = arith.constant 0 : i32
      %dma_start3A_39 = tpu.memref_slice %arg8[%mul3A_36, %dma_start3A_38] : memref<1408x64xf32, #tpu.memory_space<hbm>> -> memref<44x64xf32, #tpu.memory_space<hbm>>
      tpu.enqueue_dma source(%arg18 : memref<44x64xf32, #tpu.memory_space<vmem>>) target(%dma_start3A_39 : memref<44x64xf32, #tpu.memory_space<hbm>>) target_semaphore(%run_scoped3A : memref<!tpu.dma_semaphore, #tpu.memory_space<semaphore_mem>>)
      %dma_wait3A = arith.constant 0 : i32
      %dma_wait3A_40 = tpu.memref_slice %arg8[%mul3A_36, %dma_wait3A] : memref<1408x64xf32, #tpu.memory_space<hbm>> -> memref<44x64xf32, #tpu.memory_space<hbm>>
      %dma_wait3A_41 = arith.constant 0 : i32
      %dma_wait3A_42 = tpu.memref_slice %arg8[%mul3A_36, %dma_wait3A_41] : memref<1408x64xf32, #tpu.memory_space<hbm>> -> memref<44x64xf32, #tpu.memory_space<hbm>>
      tpu.wait_dma2 semaphore(%run_scoped3A : memref<!tpu.dma_semaphore, #tpu.memory_space<semaphore_mem>>) src(%arg18 : memref<44x64xf32, #tpu.memory_space<vmem>>) dst(%dma_wait3A_42 : memref<44x64xf32, #tpu.memory_space<hbm>>)
      tpu.yield
    }) : () -> ()
    return
  }
}

module attributes {stable_mosaic.version = 14 : i64} {
  func.func @_tc_body(%arg0: i32, %arg1: memref<1x2048xf32, #tpu.memory_space<vmem>>, %arg2: memref<1x2048xf32, #tpu.memory_space<vmem>>, %arg3: memref<128x1xf32, #tpu.memory_space<vmem>>, %arg4: memref<128x1xf32, #tpu.memory_space<vmem>>, %arg5: memref<1x2048xf32, #tpu.memory_space<vmem>>, %arg6: memref<1x2048xf32, #tpu.memory_space<vmem>>, %arg7: memref<4x8xf32, #tpu.memory_space<vmem>>, %arg8: memref<1x8xf32, #tpu.memory_space<vmem>>, %arg9: memref<128x64xf32, #tpu.memory_space<vmem>>) attributes {dimension_semantics = [#tpu.dimension_semantics<arbitrary>], iteration_bounds = array<i64: 5>, scalar_prefetch = 0 : i64, scratch_operands = 0 : i64, tpu.core_type = #tpu.core_type<tc>, window_params = [{pipeline_mode = #tpu.pipeline_mode<synchronous>, transform_indices = @transform_0, window_bounds = array<i64: 1, 2048>}, {pipeline_mode = #tpu.pipeline_mode<synchronous>, transform_indices = @transform_1, window_bounds = array<i64: 1, 2048>}, {transform_indices = @transform_2, window_bounds = array<i64: 128, 1>}, {transform_indices = @transform_3, window_bounds = array<i64: 128, 1>}, {pipeline_mode = #tpu.pipeline_mode<synchronous>, transform_indices = @transform_4, window_bounds = array<i64: 1, 2048>}, {pipeline_mode = #tpu.pipeline_mode<synchronous>, transform_indices = @transform_5, window_bounds = array<i64: 1, 2048>}, {pipeline_mode = #tpu.pipeline_mode<synchronous>, transform_indices = @transform_6, window_bounds = array<i64: 4, 8>}, {pipeline_mode = #tpu.pipeline_mode<synchronous>, transform_indices = @transform_7, window_bounds = array<i64: 1, 8>}, {transform_indices = @transform_8, window_bounds = array<i64: 128, 64>}]} {
    %mul3A = arith.constant 128 : i32
    %mul3A_0 = arith.muli %arg0, %mul3A : i32
    %iota3A = tpu.iota {dimensions = array<i32: 1>} : vector<128x2048xi32>
    %iota3A_1 = tpu.iota {dimensions = array<i32: 0>} : vector<128x2048xi32>
    %add3A = vector.broadcast %mul3A_0 : i32 to vector<128x2048xi32>
    %add3A_2 = arith.addi %add3A, %iota3A_1 : vector<128x2048xi32>
    %get3A = arith.constant 0 : index
    %get3A_3 = arith.constant 0 : index
    %get3A_4 = vector.load %arg5[%get3A, %get3A_3] : memref<1x2048xf32, #tpu.memory_space<vmem>>, vector<1x2048xf32>
    %get3A_5 = arith.constant 0 : index
    %get3A_6 = arith.constant 0 : index
    %get3A_7 = vector.load %arg3[%get3A_5, %get3A_6] : memref<128x1xf32, #tpu.memory_space<vmem>>, vector<128x1xf32>
    %sub3A = vector.broadcast %get3A_4 : vector<1x2048xf32> to vector<128x2048xf32>
    %sub3A_8 = vector.broadcast %get3A_7 : vector<128x1xf32> to vector<128x2048xf32>
    %sub3A_9 = arith.subf %sub3A, %sub3A_8 : vector<128x2048xf32>
    %get3A_10 = arith.constant 0 : index
    %get3A_11 = arith.constant 0 : index
    %get3A_12 = vector.load %arg6[%get3A_10, %get3A_11] : memref<1x2048xf32, #tpu.memory_space<vmem>>, vector<1x2048xf32>
    %get3A_13 = arith.constant 0 : index
    %get3A_14 = arith.constant 0 : index
    %get3A_15 = vector.load %arg4[%get3A_13, %get3A_14] : memref<128x1xf32, #tpu.memory_space<vmem>>, vector<128x1xf32>
    %sub3A_16 = vector.broadcast %get3A_12 : vector<1x2048xf32> to vector<128x2048xf32>
    %sub3A_17 = vector.broadcast %get3A_15 : vector<128x1xf32> to vector<128x2048xf32>
    %sub3A_18 = arith.subf %sub3A_16, %sub3A_17 : vector<128x2048xf32>
    %mul3A_19 = arith.mulf %sub3A_9, %sub3A_9 : vector<128x2048xf32>
    %mul3A_20 = arith.mulf %sub3A_18, %sub3A_18 : vector<128x2048xf32>
    %add3A_21 = arith.addf %mul3A_19, %mul3A_20 : vector<128x2048xf32>
    %sqrt3A = math.sqrt %add3A_21 : vector<128x2048xf32>
    %eq3A = arith.cmpi eq, %iota3A, %add3A_2 : vector<128x2048xi32>
    %jit3A = arith.constant 0x7F800000 : f32
    %broadcast_in_dim3A = vector.broadcast %jit3A : f32 to vector<128x2048xf32>
    %select_n3A = arith.select %eq3A, %broadcast_in_dim3A, %sqrt3A : vector<128x2048xi1>, vector<128x2048xf32>
    %get3A_22 = arith.constant 0 : index
    %get3A_23 = arith.constant 0 : index
    %get3A_24 = vector.load %arg5[%get3A_22, %get3A_23] : memref<1x2048xf32, #tpu.memory_space<vmem>>, vector<1x2048xf32>
    %get3A_25 = arith.constant 0 : index
    %get3A_26 = arith.constant 0 : index
    %get3A_27 = vector.load %arg1[%get3A_25, %get3A_26] : memref<1x2048xf32, #tpu.memory_space<vmem>>, vector<1x2048xf32>
    %sub3A_28 = arith.subf %get3A_24, %get3A_27 : vector<1x2048xf32>
    %get3A_29 = arith.constant 0 : index
    %get3A_30 = arith.constant 0 : index
    %get3A_31 = vector.load %arg6[%get3A_29, %get3A_30] : memref<1x2048xf32, #tpu.memory_space<vmem>>, vector<1x2048xf32>
    %get3A_32 = arith.constant 0 : index
    %get3A_33 = arith.constant 0 : index
    %get3A_34 = vector.load %arg2[%get3A_32, %get3A_33] : memref<1x2048xf32, #tpu.memory_space<vmem>>, vector<1x2048xf32>
    %sub3A_35 = arith.subf %get3A_31, %get3A_34 : vector<1x2048xf32>
    %get3A_36 = arith.constant 0 : index
    %get3A_37 = arith.constant 0 : index
    %get3A_38 = vector.load %arg5[%get3A_36, %get3A_37] : memref<1x2048xf32, #tpu.memory_space<vmem>>, vector<1x2048xf32>
    %get3A_39 = arith.constant 0 : index
    %get3A_40 = arith.constant 0 : index
    %get3A_41 = vector.load %arg6[%get3A_39, %get3A_40] : memref<1x2048xf32, #tpu.memory_space<vmem>>, vector<1x2048xf32>
    %concatenate3A = tpu.concatenate %get3A_38, %get3A_41, %sub3A_28, %sub3A_35 in 0 : vector<1x2048xf32>, vector<1x2048xf32>, vector<1x2048xf32>, vector<1x2048xf32> -> vector<4x2048xf32>
    %transpose3A = tpu.transpose %concatenate3A, [1, 0] : vector<4x2048xf32> -> vector<2048x4xf32>
    %eq3A_42 = arith.cmpi eq, %iota3A, %add3A_2 : vector<128x2048xi32>
    %convert_element_type3A = arith.extui %eq3A_42 : vector<128x2048xi1> to vector<128x2048xi32>
    %convert_element_type3A_43 = arith.sitofp %convert_element_type3A : vector<128x2048xi32> to vector<128x2048xf32>
    %dot_general3A = arith.constant dense<0.000000e+00> : vector<128x4xf32>
    %dot_general3A_44 = tpu.matmul %convert_element_type3A_43, %transpose3A, %dot_general3A {dimension_numbers = #tpu.dot_dimension_numbers<[1], [0], [0], [1], [0, 0, 1, 1], [], []>, transpose_lhs_hint = false} : vector<128x2048xf32>, vector<2048x4xf32>, vector<128x4xf32> -> vector<128x4xf32>
    %argmin3A = tpu.reduce_index %select_n3A {axis = 1 : i32, kind = #tpu.reduction_kind<arg_min>} : vector<128x2048xf32> -> vector<128xi32>
    %reshape3A = vector.shape_cast %argmin3A : vector<128xi32> to vector<128x1xi32>
    %eq3A_45 = vector.broadcast %reshape3A : vector<128x1xi32> to vector<128x2048xi32>
    %eq3A_46 = arith.cmpi eq, %iota3A, %eq3A_45 : vector<128x2048xi32>
    %convert_element_type3A_47 = arith.extui %eq3A_46 : vector<128x2048xi1> to vector<128x2048xi32>
    %convert_element_type3A_48 = arith.sitofp %convert_element_type3A_47 : vector<128x2048xi32> to vector<128x2048xf32>
    %dot_general3A_49 = arith.constant dense<0.000000e+00> : vector<128x4xf32>
    %dot_general3A_50 = tpu.matmul %convert_element_type3A_48, %transpose3A, %dot_general3A_49 {dimension_numbers = #tpu.dot_dimension_numbers<[1], [0], [0], [1], [0, 0, 1, 1], [], []>, transpose_lhs_hint = false} : vector<128x2048xf32>, vector<2048x4xf32>, vector<128x4xf32> -> vector<128x4xf32>
    %sub3A_51 = arith.subf %dot_general3A_50, %dot_general3A_44 : vector<128x4xf32>
    %get3A_52 = arith.constant 0 : index
    %get3A_53 = arith.constant 0 : index
    %get3A_54 = vector.load %arg7[%get3A_52, %get3A_53] : memref<4x8xf32, #tpu.memory_space<vmem>>, vector<4x8xf32>
    %dot_general3A_55 = arith.constant dense<0.000000e+00> : vector<128x8xf32>
    %dot_general3A_56 = tpu.matmul %sub3A_51, %get3A_54, %dot_general3A_55 {dimension_numbers = #tpu.dot_dimension_numbers<[1], [0], [0], [1], [0, 0, 1, 1], [], []>, transpose_lhs_hint = false} : vector<128x4xf32>, vector<4x8xf32>, vector<128x8xf32> -> vector<128x8xf32>
    %get3A_57 = arith.constant 0 : index
    %get3A_58 = arith.constant 0 : index
    %get3A_59 = vector.load %arg8[%get3A_57, %get3A_58] : memref<1x8xf32, #tpu.memory_space<vmem>>, vector<1x8xf32>
    %add3A_60 = vector.broadcast %get3A_59 : vector<1x8xf32> to vector<128x8xf32>
    %add3A_61 = arith.addf %dot_general3A_56, %add3A_60 : vector<128x8xf32>
    %max3A = arith.constant 0.000000e+00 : f32
    %max3A_62 = vector.broadcast %max3A : f32 to vector<128x8xf32>
    %max3A_63 = arith.maximumf %add3A_61, %max3A_62 : vector<128x8xf32>
    %swap3A = arith.constant 0 : index
    %swap3A_64 = arith.constant 0 : index
    %swap3A_65 = vector.load %arg9[%swap3A, %swap3A_64] : memref<128x64xf32, #tpu.memory_space<vmem>>, vector<128x8xf32>
    tpu.vector_store %arg9[%swap3A, %swap3A_64], %max3A_63 {strides = array<i32>} : memref<128x64xf32, #tpu.memory_space<vmem>>, vector<128x8xf32>,
    %eq3A_66 = vector.broadcast %reshape3A : vector<128x1xi32> to vector<128x2048xi32>
    %eq3A_67 = arith.cmpi eq, %iota3A, %eq3A_66 : vector<128x2048xi32>
    %jit3A_68 = arith.constant 0x7F800000 : f32
    %broadcast_in_dim3A_69 = vector.broadcast %jit3A_68 : f32 to vector<128x2048xf32>
    %select_n3A_70 = arith.select %eq3A_67, %broadcast_in_dim3A_69, %select_n3A : vector<128x2048xi1>, vector<128x2048xf32>
    %argmin3A_71 = tpu.reduce_index %select_n3A_70 {axis = 1 : i32, kind = #tpu.reduction_kind<arg_min>} : vector<128x2048xf32> -> vector<128xi32>
    %reshape3A_72 = vector.shape_cast %argmin3A_71 : vector<128xi32> to vector<128x1xi32>
    %eq3A_73 = vector.broadcast %reshape3A_72 : vector<128x1xi32> to vector<128x2048xi32>
    %eq3A_74 = arith.cmpi eq, %iota3A, %eq3A_73 : vector<128x2048xi32>
    %convert_element_type3A_75 = arith.extui %eq3A_74 : vector<128x2048xi1> to vector<128x2048xi32>
    %convert_element_type3A_76 = arith.sitofp %convert_element_type3A_75 : vector<128x2048xi32> to vector<128x2048xf32>
    %dot_general3A_77 = arith.constant dense<0.000000e+00> : vector<128x4xf32>
    %dot_general3A_78 = tpu.matmul %convert_element_type3A_76, %transpose3A, %dot_general3A_77 {dimension_numbers = #tpu.dot_dimension_numbers<[1], [0], [0], [1], [0, 0, 1, 1], [], []>, transpose_lhs_hint = false} : vector<128x2048xf32>, vector<2048x4xf32>, vector<128x4xf32> -> vector<128x4xf32>
    %sub3A_79 = arith.subf %dot_general3A_78, %dot_general3A_44 : vector<128x4xf32>
    %get3A_80 = arith.constant 0 : index
    %get3A_81 = arith.constant 0 : index
    %get3A_82 = vector.load %arg7[%get3A_80, %get3A_81] : memref<4x8xf32, #tpu.memory_space<vmem>>, vector<4x8xf32>
    %dot_general3A_83 = arith.constant dense<0.000000e+00> : vector<128x8xf32>
    %dot_general3A_84 = tpu.matmul %sub3A_79, %get3A_82, %dot_general3A_83 {dimension_numbers = #tpu.dot_dimension_numbers<[1], [0], [0], [1], [0, 0, 1, 1], [], []>, transpose_lhs_hint = false} : vector<128x4xf32>, vector<4x8xf32>, vector<128x8xf32> -> vector<128x8xf32>
    %get3A_85 = arith.constant 0 : index
    %get3A_86 = arith.constant 0 : index
    %get3A_87 = vector.load %arg8[%get3A_85, %get3A_86] : memref<1x8xf32, #tpu.memory_space<vmem>>, vector<1x8xf32>
    %add3A_88 = vector.broadcast %get3A_87 : vector<1x8xf32> to vector<128x8xf32>
    %add3A_89 = arith.addf %dot_general3A_84, %add3A_88 : vector<128x8xf32>
    %max3A_90 = arith.constant 0.000000e+00 : f32
    %max3A_91 = vector.broadcast %max3A_90 : f32 to vector<128x8xf32>
    %max3A_92 = arith.maximumf %add3A_89, %max3A_91 : vector<128x8xf32>
    %swap3A_93 = arith.constant 0 : index
    %swap3A_94 = arith.constant 8 : index
    %swap3A_95 = vector.load %arg9[%swap3A_93, %swap3A_94] : memref<128x64xf32, #tpu.memory_space<vmem>>, vector<128x8xf32>
    tpu.vector_store %arg9[%swap3A_93, %swap3A_94], %max3A_92 {strides = array<i32>} : memref<128x64xf32, #tpu.memory_space<vmem>>, vector<128x8xf32>,
    %eq3A_96 = vector.broadcast %reshape3A_72 : vector<128x1xi32> to vector<128x2048xi32>
    %eq3A_97 = arith.cmpi eq, %iota3A, %eq3A_96 : vector<128x2048xi32>
    %jit3A_98 = arith.constant 0x7F800000 : f32
    %broadcast_in_dim3A_99 = vector.broadcast %jit3A_98 : f32 to vector<128x2048xf32>
    %select_n3A_100 = arith.select %eq3A_97, %broadcast_in_dim3A_99, %select_n3A_70 : vector<128x2048xi1>, vector<128x2048xf32>
    %argmin3A_101 = tpu.reduce_index %select_n3A_100 {axis = 1 : i32, kind = #tpu.reduction_kind<arg_min>} : vector<128x2048xf32> -> vector<128xi32>
    %reshape3A_102 = vector.shape_cast %argmin3A_101 : vector<128xi32> to vector<128x1xi32>
    %eq3A_103 = vector.broadcast %reshape3A_102 : vector<128x1xi32> to vector<128x2048xi32>
    %eq3A_104 = arith.cmpi eq, %iota3A, %eq3A_103 : vector<128x2048xi32>
    %convert_element_type3A_105 = arith.extui %eq3A_104 : vector<128x2048xi1> to vector<128x2048xi32>
    %convert_element_type3A_106 = arith.sitofp %convert_element_type3A_105 : vector<128x2048xi32> to vector<128x2048xf32>
    %dot_general3A_107 = arith.constant dense<0.000000e+00> : vector<128x4xf32>
    %dot_general3A_108 = tpu.matmul %convert_element_type3A_106, %transpose3A, %dot_general3A_107 {dimension_numbers = #tpu.dot_dimension_numbers<[1], [0], [0], [1], [0, 0, 1, 1], [], []>, transpose_lhs_hint = false} : vector<128x2048xf32>, vector<2048x4xf32>, vector<128x4xf32> -> vector<128x4xf32>
    %sub3A_109 = arith.subf %dot_general3A_108, %dot_general3A_44 : vector<128x4xf32>
    %get3A_110 = arith.constant 0 : index
    %get3A_111 = arith.constant 0 : index
    %get3A_112 = vector.load %arg7[%get3A_110, %get3A_111] : memref<4x8xf32, #tpu.memory_space<vmem>>, vector<4x8xf32>
    %dot_general3A_113 = arith.constant dense<0.000000e+00> : vector<128x8xf32>
    %dot_general3A_114 = tpu.matmul %sub3A_109, %get3A_112, %dot_general3A_113 {dimension_numbers = #tpu.dot_dimension_numbers<[1], [0], [0], [1], [0, 0, 1, 1], [], []>, transpose_lhs_hint = false} : vector<128x4xf32>, vector<4x8xf32>, vector<128x8xf32> -> vector<128x8xf32>
    %get3A_115 = arith.constant 0 : index
    %get3A_116 = arith.constant 0 : index
    %get3A_117 = vector.load %arg8[%get3A_115, %get3A_116] : memref<1x8xf32, #tpu.memory_space<vmem>>, vector<1x8xf32>
    %add3A_118 = vector.broadcast %get3A_117 : vector<1x8xf32> to vector<128x8xf32>
    %add3A_119 = arith.addf %dot_general3A_114, %add3A_118 : vector<128x8xf32>
    %max3A_120 = arith.constant 0.000000e+00 : f32
    %max3A_121 = vector.broadcast %max3A_120 : f32 to vector<128x8xf32>
    %max3A_122 = arith.maximumf %add3A_119, %max3A_121 : vector<128x8xf32>
    %swap3A_123 = arith.constant 0 : index
    %swap3A_124 = arith.constant 16 : index
    %swap3A_125 = vector.load %arg9[%swap3A_123, %swap3A_124] : memref<128x64xf32, #tpu.memory_space<vmem>>, vector<128x8xf32>
    tpu.vector_store %arg9[%swap3A_123, %swap3A_124], %max3A_122 {strides = array<i32>} : memref<128x64xf32, #tpu.memory_space<vmem>>, vector<128x8xf32>,
    %eq3A_126 = vector.broadcast %reshape3A_102 : vector<128x1xi32> to vector<128x2048xi32>
    %eq3A_127 = arith.cmpi eq, %iota3A, %eq3A_126 : vector<128x2048xi32>
    %jit3A_128 = arith.constant 0x7F800000 : f32
    %broadcast_in_dim3A_129 = vector.broadcast %jit3A_128 : f32 to vector<128x2048xf32>
    %select_n3A_130 = arith.select %eq3A_127, %broadcast_in_dim3A_129, %select_n3A_100 : vector<128x2048xi1>, vector<128x2048xf32>
    %argmin3A_131 = tpu.reduce_index %select_n3A_130 {axis = 1 : i32, kind = #tpu.reduction_kind<arg_min>} : vector<128x2048xf32> -> vector<128xi32>
    %reshape3A_132 = vector.shape_cast %argmin3A_131 : vector<128xi32> to vector<128x1xi32>
    %eq3A_133 = vector.broadcast %reshape3A_132 : vector<128x1xi32> to vector<128x2048xi32>
    %eq3A_134 = arith.cmpi eq, %iota3A, %eq3A_133 : vector<128x2048xi32>
    %convert_element_type3A_135 = arith.extui %eq3A_134 : vector<128x2048xi1> to vector<128x2048xi32>
    %convert_element_type3A_136 = arith.sitofp %convert_element_type3A_135 : vector<128x2048xi32> to vector<128x2048xf32>
    %dot_general3A_137 = arith.constant dense<0.000000e+00> : vector<128x4xf32>
    %dot_general3A_138 = tpu.matmul %convert_element_type3A_136, %transpose3A, %dot_general3A_137 {dimension_numbers = #tpu.dot_dimension_numbers<[1], [0], [0], [1], [0, 0, 1, 1], [], []>, transpose_lhs_hint = false} : vector<128x2048xf32>, vector<2048x4xf32>, vector<128x4xf32> -> vector<128x4xf32>
    %sub3A_139 = arith.subf %dot_general3A_138, %dot_general3A_44 : vector<128x4xf32>
    %get3A_140 = arith.constant 0 : index
    %get3A_141 = arith.constant 0 : index
    %get3A_142 = vector.load %arg7[%get3A_140, %get3A_141] : memref<4x8xf32, #tpu.memory_space<vmem>>, vector<4x8xf32>
    %dot_general3A_143 = arith.constant dense<0.000000e+00> : vector<128x8xf32>
    %dot_general3A_144 = tpu.matmul %sub3A_139, %get3A_142, %dot_general3A_143 {dimension_numbers = #tpu.dot_dimension_numbers<[1], [0], [0], [1], [0, 0, 1, 1], [], []>, transpose_lhs_hint = false} : vector<128x4xf32>, vector<4x8xf32>, vector<128x8xf32> -> vector<128x8xf32>
    %get3A_145 = arith.constant 0 : index
    %get3A_146 = arith.constant 0 : index
    %get3A_147 = vector.load %arg8[%get3A_145, %get3A_146] : memref<1x8xf32, #tpu.memory_space<vmem>>, vector<1x8xf32>
    %add3A_148 = vector.broadcast %get3A_147 : vector<1x8xf32> to vector<128x8xf32>
    %add3A_149 = arith.addf %dot_general3A_144, %add3A_148 : vector<128x8xf32>
    %max3A_150 = arith.constant 0.000000e+00 : f32
    %max3A_151 = vector.broadcast %max3A_150 : f32 to vector<128x8xf32>
    %max3A_152 = arith.maximumf %add3A_149, %max3A_151 : vector<128x8xf32>
    %swap3A_153 = arith.constant 0 : index
    %swap3A_154 = arith.constant 24 : index
    %swap3A_155 = vector.load %arg9[%swap3A_153, %swap3A_154] : memref<128x64xf32, #tpu.memory_space<vmem>>, vector<128x8xf32>
    tpu.vector_store %arg9[%swap3A_153, %swap3A_154], %max3A_152 {strides = array<i32>} : memref<128x64xf32, #tpu.memory_space<vmem>>, vector<128x8xf32>,
    %eq3A_156 = vector.broadcast %reshape3A_132 : vector<128x1xi32> to vector<128x2048xi32>
    %eq3A_157 = arith.cmpi eq, %iota3A, %eq3A_156 : vector<128x2048xi32>
    %jit3A_158 = arith.constant 0x7F800000 : f32
    %broadcast_in_dim3A_159 = vector.broadcast %jit3A_158 : f32 to vector<128x2048xf32>
    %select_n3A_160 = arith.select %eq3A_157, %broadcast_in_dim3A_159, %select_n3A_130 : vector<128x2048xi1>, vector<128x2048xf32>
    %argmin3A_161 = tpu.reduce_index %select_n3A_160 {axis = 1 : i32, kind = #tpu.reduction_kind<arg_min>} : vector<128x2048xf32> -> vector<128xi32>
    %reshape3A_162 = vector.shape_cast %argmin3A_161 : vector<128xi32> to vector<128x1xi32>
    %eq3A_163 = vector.broadcast %reshape3A_162 : vector<128x1xi32> to vector<128x2048xi32>
    %eq3A_164 = arith.cmpi eq, %iota3A, %eq3A_163 : vector<128x2048xi32>
    %convert_element_type3A_165 = arith.extui %eq3A_164 : vector<128x2048xi1> to vector<128x2048xi32>
    %convert_element_type3A_166 = arith.sitofp %convert_element_type3A_165 : vector<128x2048xi32> to vector<128x2048xf32>
    %dot_general3A_167 = arith.constant dense<0.000000e+00> : vector<128x4xf32>
    %dot_general3A_168 = tpu.matmul %convert_element_type3A_166, %transpose3A, %dot_general3A_167 {dimension_numbers = #tpu.dot_dimension_numbers<[1], [0], [0], [1], [0, 0, 1, 1], [], []>, transpose_lhs_hint = false} : vector<128x2048xf32>, vector<2048x4xf32>, vector<128x4xf32> -> vector<128x4xf32>
    %sub3A_169 = arith.subf %dot_general3A_168, %dot_general3A_44 : vector<128x4xf32>
    %get3A_170 = arith.constant 0 : index
    %get3A_171 = arith.constant 0 : index
    %get3A_172 = vector.load %arg7[%get3A_170, %get3A_171] : memref<4x8xf32, #tpu.memory_space<vmem>>, vector<4x8xf32>
    %dot_general3A_173 = arith.constant dense<0.000000e+00> : vector<128x8xf32>
    %dot_general3A_174 = tpu.matmul %sub3A_169, %get3A_172, %dot_general3A_173 {dimension_numbers = #tpu.dot_dimension_numbers<[1], [0], [0], [1], [0, 0, 1, 1], [], []>, transpose_lhs_hint = false} : vector<128x4xf32>, vector<4x8xf32>, vector<128x8xf32> -> vector<128x8xf32>
    %get3A_175 = arith.constant 0 : index
    %get3A_176 = arith.constant 0 : index
    %get3A_177 = vector.load %arg8[%get3A_175, %get3A_176] : memref<1x8xf32, #tpu.memory_space<vmem>>, vector<1x8xf32>
    %add3A_178 = vector.broadcast %get3A_177 : vector<1x8xf32> to vector<128x8xf32>
    %add3A_179 = arith.addf %dot_general3A_174, %add3A_178 : vector<128x8xf32>
    %max3A_180 = arith.constant 0.000000e+00 : f32
    %max3A_181 = vector.broadcast %max3A_180 : f32 to vector<128x8xf32>
    %max3A_182 = arith.maximumf %add3A_179, %max3A_181 : vector<128x8xf32>
    %swap3A_183 = arith.constant 0 : index
    %swap3A_184 = arith.constant 32 : index
    %swap3A_185 = vector.load %arg9[%swap3A_183, %swap3A_184] : memref<128x64xf32, #tpu.memory_space<vmem>>, vector<128x8xf32>
    tpu.vector_store %arg9[%swap3A_183, %swap3A_184], %max3A_182 {strides = array<i32>} : memref<128x64xf32, #tpu.memory_space<vmem>>, vector<128x8xf32>,
    %eq3A_186 = vector.broadcast %reshape3A_162 : vector<128x1xi32> to vector<128x2048xi32>
    %eq3A_187 = arith.cmpi eq, %iota3A, %eq3A_186 : vector<128x2048xi32>
    %jit3A_188 = arith.constant 0x7F800000 : f32
    %broadcast_in_dim3A_189 = vector.broadcast %jit3A_188 : f32 to vector<128x2048xf32>
    %select_n3A_190 = arith.select %eq3A_187, %broadcast_in_dim3A_189, %select_n3A_160 : vector<128x2048xi1>, vector<128x2048xf32>
    %argmin3A_191 = tpu.reduce_index %select_n3A_190 {axis = 1 : i32, kind = #tpu.reduction_kind<arg_min>} : vector<128x2048xf32> -> vector<128xi32>
    %reshape3A_192 = vector.shape_cast %argmin3A_191 : vector<128xi32> to vector<128x1xi32>
    %eq3A_193 = vector.broadcast %reshape3A_192 : vector<128x1xi32> to vector<128x2048xi32>
    %eq3A_194 = arith.cmpi eq, %iota3A, %eq3A_193 : vector<128x2048xi32>
    %convert_element_type3A_195 = arith.extui %eq3A_194 : vector<128x2048xi1> to vector<128x2048xi32>
    %convert_element_type3A_196 = arith.sitofp %convert_element_type3A_195 : vector<128x2048xi32> to vector<128x2048xf32>
    %dot_general3A_197 = arith.constant dense<0.000000e+00> : vector<128x4xf32>
    %dot_general3A_198 = tpu.matmul %convert_element_type3A_196, %transpose3A, %dot_general3A_197 {dimension_numbers = #tpu.dot_dimension_numbers<[1], [0], [0], [1], [0, 0, 1, 1], [], []>, transpose_lhs_hint = false} : vector<128x2048xf32>, vector<2048x4xf32>, vector<128x4xf32> -> vector<128x4xf32>
    %sub3A_199 = arith.subf %dot_general3A_198, %dot_general3A_44 : vector<128x4xf32>
    %get3A_200 = arith.constant 0 : index
    %get3A_201 = arith.constant 0 : index
    %get3A_202 = vector.load %arg7[%get3A_200, %get3A_201] : memref<4x8xf32, #tpu.memory_space<vmem>>, vector<4x8xf32>
    %dot_general3A_203 = arith.constant dense<0.000000e+00> : vector<128x8xf32>
    %dot_general3A_204 = tpu.matmul %sub3A_199, %get3A_202, %dot_general3A_203 {dimension_numbers = #tpu.dot_dimension_numbers<[1], [0], [0], [1], [0, 0, 1, 1], [], []>, transpose_lhs_hint = false} : vector<128x4xf32>, vector<4x8xf32>, vector<128x8xf32> -> vector<128x8xf32>
    %get3A_205 = arith.constant 0 : index
    %get3A_206 = arith.constant 0 : index
    %get3A_207 = vector.load %arg8[%get3A_205, %get3A_206] : memref<1x8xf32, #tpu.memory_space<vmem>>, vector<1x8xf32>
    %add3A_208 = vector.broadcast %get3A_207 : vector<1x8xf32> to vector<128x8xf32>
    %add3A_209 = arith.addf %dot_general3A_204, %add3A_208 : vector<128x8xf32>
    %max3A_210 = arith.constant 0.000000e+00 : f32
    %max3A_211 = vector.broadcast %max3A_210 : f32 to vector<128x8xf32>
    %max3A_212 = arith.maximumf %add3A_209, %max3A_211 : vector<128x8xf32>
    %swap3A_213 = arith.constant 0 : index
    %swap3A_214 = arith.constant 40 : index
    %swap3A_215 = vector.load %arg9[%swap3A_213, %swap3A_214] : memref<128x64xf32, #tpu.memory_space<vmem>>, vector<128x8xf32>
    tpu.vector_store %arg9[%swap3A_213, %swap3A_214], %max3A_212 {strides = array<i32>} : memref<128x64xf32, #tpu.memory_space<vmem>>, vector<128x8xf32>,
    %eq3A_216 = vector.broadcast %reshape3A_192 : vector<128x1xi32> to vector<128x2048xi32>
    %eq3A_217 = arith.cmpi eq, %iota3A, %eq3A_216 : vector<128x2048xi32>
    %jit3A_218 = arith.constant 0x7F800000 : f32
    %broadcast_in_dim3A_219 = vector.broadcast %jit3A_218 : f32 to vector<128x2048xf32>
    %select_n3A_220 = arith.select %eq3A_217, %broadcast_in_dim3A_219, %select_n3A_190 : vector<128x2048xi1>, vector<128x2048xf32>
    %argmin3A_221 = tpu.reduce_index %select_n3A_220 {axis = 1 : i32, kind = #tpu.reduction_kind<arg_min>} : vector<128x2048xf32> -> vector<128xi32>
    %reshape3A_222 = vector.shape_cast %argmin3A_221 : vector<128xi32> to vector<128x1xi32>
    %eq3A_223 = vector.broadcast %reshape3A_222 : vector<128x1xi32> to vector<128x2048xi32>
    %eq3A_224 = arith.cmpi eq, %iota3A, %eq3A_223 : vector<128x2048xi32>
    %convert_element_type3A_225 = arith.extui %eq3A_224 : vector<128x2048xi1> to vector<128x2048xi32>
    %convert_element_type3A_226 = arith.sitofp %convert_element_type3A_225 : vector<128x2048xi32> to vector<128x2048xf32>
    %dot_general3A_227 = arith.constant dense<0.000000e+00> : vector<128x4xf32>
    %dot_general3A_228 = tpu.matmul %convert_element_type3A_226, %transpose3A, %dot_general3A_227 {dimension_numbers = #tpu.dot_dimension_numbers<[1], [0], [0], [1], [0, 0, 1, 1], [], []>, transpose_lhs_hint = false} : vector<128x2048xf32>, vector<2048x4xf32>, vector<128x4xf32> -> vector<128x4xf32>
    %sub3A_229 = arith.subf %dot_general3A_228, %dot_general3A_44 : vector<128x4xf32>
    %get3A_230 = arith.constant 0 : index
    %get3A_231 = arith.constant 0 : index
    %get3A_232 = vector.load %arg7[%get3A_230, %get3A_231] : memref<4x8xf32, #tpu.memory_space<vmem>>, vector<4x8xf32>
    %dot_general3A_233 = arith.constant dense<0.000000e+00> : vector<128x8xf32>
    %dot_general3A_234 = tpu.matmul %sub3A_229, %get3A_232, %dot_general3A_233 {dimension_numbers = #tpu.dot_dimension_numbers<[1], [0], [0], [1], [0, 0, 1, 1], [], []>, transpose_lhs_hint = false} : vector<128x4xf32>, vector<4x8xf32>, vector<128x8xf32> -> vector<128x8xf32>
    %get3A_235 = arith.constant 0 : index
    %get3A_236 = arith.constant 0 : index
    %get3A_237 = vector.load %arg8[%get3A_235, %get3A_236] : memref<1x8xf32, #tpu.memory_space<vmem>>, vector<1x8xf32>
    %add3A_238 = vector.broadcast %get3A_237 : vector<1x8xf32> to vector<128x8xf32>
    %add3A_239 = arith.addf %dot_general3A_234, %add3A_238 : vector<128x8xf32>
    %max3A_240 = arith.constant 0.000000e+00 : f32
    %max3A_241 = vector.broadcast %max3A_240 : f32 to vector<128x8xf32>
    %max3A_242 = arith.maximumf %add3A_239, %max3A_241 : vector<128x8xf32>
    %swap3A_243 = arith.constant 0 : index
    %swap3A_244 = arith.constant 48 : index
    %swap3A_245 = vector.load %arg9[%swap3A_243, %swap3A_244] : memref<128x64xf32, #tpu.memory_space<vmem>>, vector<128x8xf32>
    tpu.vector_store %arg9[%swap3A_243, %swap3A_244], %max3A_242 {strides = array<i32>} : memref<128x64xf32, #tpu.memory_space<vmem>>, vector<128x8xf32>,
    %eq3A_246 = vector.broadcast %reshape3A_222 : vector<128x1xi32> to vector<128x2048xi32>
    %eq3A_247 = arith.cmpi eq, %iota3A, %eq3A_246 : vector<128x2048xi32>
    %jit3A_248 = arith.constant 0x7F800000 : f32
    %broadcast_in_dim3A_249 = vector.broadcast %jit3A_248 : f32 to vector<128x2048xf32>
    %select_n3A_250 = arith.select %eq3A_247, %broadcast_in_dim3A_249, %select_n3A_220 : vector<128x2048xi1>, vector<128x2048xf32>
    %argmin3A_251 = tpu.reduce_index %select_n3A_250 {axis = 1 : i32, kind = #tpu.reduction_kind<arg_min>} : vector<128x2048xf32> -> vector<128xi32>
    %reshape3A_252 = vector.shape_cast %argmin3A_251 : vector<128xi32> to vector<128x1xi32>
    %eq3A_253 = vector.broadcast %reshape3A_252 : vector<128x1xi32> to vector<128x2048xi32>
    %eq3A_254 = arith.cmpi eq, %iota3A, %eq3A_253 : vector<128x2048xi32>
    %convert_element_type3A_255 = arith.extui %eq3A_254 : vector<128x2048xi1> to vector<128x2048xi32>
    %convert_element_type3A_256 = arith.sitofp %convert_element_type3A_255 : vector<128x2048xi32> to vector<128x2048xf32>
    %dot_general3A_257 = arith.constant dense<0.000000e+00> : vector<128x4xf32>
    %dot_general3A_258 = tpu.matmul %convert_element_type3A_256, %transpose3A, %dot_general3A_257 {dimension_numbers = #tpu.dot_dimension_numbers<[1], [0], [0], [1], [0, 0, 1, 1], [], []>, transpose_lhs_hint = false} : vector<128x2048xf32>, vector<2048x4xf32>, vector<128x4xf32> -> vector<128x4xf32>
    %sub3A_259 = arith.subf %dot_general3A_258, %dot_general3A_44 : vector<128x4xf32>
    %get3A_260 = arith.constant 0 : index
    %get3A_261 = arith.constant 0 : index
    %get3A_262 = vector.load %arg7[%get3A_260, %get3A_261] : memref<4x8xf32, #tpu.memory_space<vmem>>, vector<4x8xf32>
    %dot_general3A_263 = arith.constant dense<0.000000e+00> : vector<128x8xf32>
    %dot_general3A_264 = tpu.matmul %sub3A_259, %get3A_262, %dot_general3A_263 {dimension_numbers = #tpu.dot_dimension_numbers<[1], [0], [0], [1], [0, 0, 1, 1], [], []>, transpose_lhs_hint = false} : vector<128x4xf32>, vector<4x8xf32>, vector<128x8xf32> -> vector<128x8xf32>
    %get3A_265 = arith.constant 0 : index
    %get3A_266 = arith.constant 0 : index
    %get3A_267 = vector.load %arg8[%get3A_265, %get3A_266] : memref<1x8xf32, #tpu.memory_space<vmem>>, vector<1x8xf32>
    %add3A_268 = vector.broadcast %get3A_267 : vector<1x8xf32> to vector<128x8xf32>
    %add3A_269 = arith.addf %dot_general3A_264, %add3A_268 : vector<128x8xf32>
    %max3A_270 = arith.constant 0.000000e+00 : f32
    %max3A_271 = vector.broadcast %max3A_270 : f32 to vector<128x8xf32>
    %max3A_272 = arith.maximumf %add3A_269, %max3A_271 : vector<128x8xf32>
    %swap3A_273 = arith.constant 0 : index
    %swap3A_274 = arith.constant 56 : index
    %swap3A_275 = vector.load %arg9[%swap3A_273, %swap3A_274] : memref<128x64xf32, #tpu.memory_space<vmem>>, vector<128x8xf32>
    tpu.vector_store %arg9[%swap3A_273, %swap3A_274], %max3A_272 {strides = array<i32>} : memref<128x64xf32, #tpu.memory_space<vmem>>, vector<128x8xf32>,
    return
  }
  func.func @transform_0(%arg0: i32) -> (i32, i32) {
    %c0_i32 = arith.constant 0 : i32
    %c0_i32_0 = arith.constant 0 : i32
    %c0_i32_1 = arith.constant 0 : i32
    return %c0_i32, %c0_i32_0 : i32, i32
  }
  func.func @transform_1(%arg0: i32) -> (i32, i32) {
    %c0_i32 = arith.constant 0 : i32
    %c0_i32_0 = arith.constant 0 : i32
    %c0_i32_1 = arith.constant 0 : i32
    return %c0_i32, %c0_i32_0 : i32, i32
  }
  func.func @transform_2(%arg0: i32) -> (i32, i32) {
    %c0_i32 = arith.constant 0 : i32
    %c0_i32_0 = arith.constant 0 : i32
    return %arg0, %c0_i32 : i32, i32
  }
  func.func @transform_3(%arg0: i32) -> (i32, i32) {
    %c0_i32 = arith.constant 0 : i32
    %c0_i32_0 = arith.constant 0 : i32
    return %arg0, %c0_i32 : i32, i32
  }
  func.func @transform_4(%arg0: i32) -> (i32, i32) {
    %c0_i32 = arith.constant 0 : i32
    %c0_i32_0 = arith.constant 0 : i32
    %c0_i32_1 = arith.constant 0 : i32
    return %c0_i32, %c0_i32_0 : i32, i32
  }
  func.func @transform_5(%arg0: i32) -> (i32, i32) {
    %c0_i32 = arith.constant 0 : i32
    %c0_i32_0 = arith.constant 0 : i32
    %c0_i32_1 = arith.constant 0 : i32
    return %c0_i32, %c0_i32_0 : i32, i32
  }
  func.func @transform_6(%arg0: i32) -> (i32, i32) {
    %c0_i32 = arith.constant 0 : i32
    %c0_i32_0 = arith.constant 0 : i32
    %c0_i32_1 = arith.constant 0 : i32
    return %c0_i32, %c0_i32_0 : i32, i32
  }
  func.func @transform_7(%arg0: i32) -> (i32, i32) {
    %c0_i32 = arith.constant 0 : i32
    %c0_i32_0 = arith.constant 0 : i32
    %c0_i32_1 = arith.constant 0 : i32
    return %c0_i32, %c0_i32_0 : i32, i32
  }
  func.func @transform_8(%arg0: i32) -> (i32, i32) {
    %c0_i32 = arith.constant 0 : i32
    %c0_i32_0 = arith.constant 0 : i32
    return %arg0, %c0_i32 : i32, i32
  }
}

</mosaic_0001>

<sc_bundles>
// kernel: _run.4.cloned.1.call-start
scs
__scs_entry_jumppad:
0x0: {  	(pc) =	sbr.rel $0x88, $3  }
0x1: {  	(tag) =	ssettag $0x0;
	lr =	simm.s32 $0x1  }
0x2: {  	[smem:$0x3F9D] =	sst lr;
	_ =	strace $0xD0000000  }
0x3: {  	_ = 	snop  }
0x4: {  	_ = 	snop  }
0x5: {  	_ = 	snop  }
0x6: {  	_ = 	snop  }
0x7: {  	_ = 	snop  }
__scs_overlays_trampoline_lowered:
0x8: {  	[smem:$0x3FAC] =	sst s0  }
0x9: {  	[smem:$0x3FAD] =	sst s1  }
0xa: {  	[smem:$0x3FAE] =	sst s2  }
0xb: {  	[smem:$0x3FAF] =	sst s3  }
0xc: {  	[smem:$0x3FB0] =	sst s4  }
0xd: {  	[smem:$0x3FB1] =	sst s5  }
0xe: {  	[smem:$0x3FB2] =	sst s6  }
0xf: {  	[smem:$0x3FB3] =	sst s7  }
0x10: {  	[smem:$0x3FB4] =	sst s8  }
0x11: {  	[smem:$0x3FB5] =	sst s9;
	s0 =	simm.s32 @!p0 $0x0  }
0x12: {  	s1 =	sld [smem:$0x3F9B];
	s0 =	simm.s32 @p0 $0x1  }
0x13: {  	[smem:$0x3FB6] =	sst s0;
	s0 =	simm.s32 @!p1 $0x0  }
0x14: {  	s2 =	sld [smem:$0x3F9A];
	s0 =	simm.s32 @p1 $0x1  }
0x15: {  	[smem:$0x3FB7] =	sst s0;
	s0 =	simm.s32 @!p2 $0x0  }
0x16: {  	s3 =	sld [smem:$0x3FDB];
	s0 =	simm.s32 @p2 $0x1  }
0x17: {  	s4 =	simm.s32 $0x1BF5;
	[smem:$0x3FB9] =	sst s0  }
0x18: {  	s0 =	sld [smem:$0x3F9C];
	_ =	swait.ge [sflag:s4], $0x0  }
0x19: {  	s7 =	sld [smem:$0x3F9D]  }
0x1a: {  	s8 =	sadd.s32 $0xFFFFE003, lr  }
0x1b: {  	s9 =	sadd.s32 $0xFFFFFEF7, lr;
	s5 =	simm.s32 $0xFFFFFFFF;
	p2 =	slt.u32 s8, $0xFFFFF086  }
0x1c: {  	p1 =	slt.u32 s9, $0xF7A;
	s5 =	simm.s32 @!p2 $0x0  }
0x1d: {  	s5 =	simm.s32 @p1 $0x1;
	p0 =	seq.s32 s7, s2  }
0x1e: {  	s7 =	smul.u32 @!p0 $0xF7A, s2;
	p2 =	seq.s32 @!p0 s5, $0x0  }
0x1f: {  	s9 =	smul.u32 $0xF7A, s1;
	s8 =	simm.s32 @!p0 $0x1BF5;
	p2 =	por !p2, p0  }
0x20: {  	[sflag:s8] =	ssyncset.s32 @!p0 $0xFFFFF086;
	s6 =	sadd.s32 @!p0 s3, s7;
	s7 =	simm.s32 @!p0 $0x108  }
0x21: {  	s3 =	sadd.s32 s3, s9;
	s6 =	sadd.s32 @!p0 $0x88, s6;
	s7 =	simm.s32 @p2 $0x1082  }
0x22: {  	[simem:s7], [sflag:s8] =	dma.local @!p0 [hbm:s6], $0xF7A  }
0x23: {  	s9 =	sor.u32 $0xD0000000, s2;
	s6 =	simm.s32 $0x108;
	_ =	swait.ge @!p0 [sflag:s8], $0x0  }
0x24: {  	s3 =	sadd.s32 $0x88, s3;
	s6 =	simm.s32 @!p1 $0x1082;
	[sflag:s4] =	ssyncset.s32 $0xFFFFF086  }
0x25: {  	[simem:s6], [sflag:s4] =	dma.local [hbm:s3], $0xF7A  }
0x26: {  	[smem:$0x3F9D] =	sst s1;
	(tag) =	ssettag s2;
	_ =	strace s9  }
0x27: {  	s1 =	sld [smem:$0x3FAD]  }
0x28: {  	s2 =	sld [smem:$0x3FAE]  }
0x29: {  	s4 =	sld [smem:$0x3FB0]  }
0x2a: {  	p0 =	seq.s32 s5, $0x0;
	s5 =	sld [smem:$0x3FB1]  }
0x2b: {  	s6 =	sld [smem:$0x3FB2]  }
0x2c: {  	s7 =	sld [smem:$0x3FB3]  }
0x2d: {  	s3 =	simm.s32 $0x108;
	s8 =	sld [smem:$0x3FB4]  }
0x2e: {  	s3 =	simm.s32 @!p0 $0x1082;
	s9 =	sld [smem:$0x3FB5]  }
0x2f: {  	lr =	sadd.s32 s0, s3;
	s0 =	sld [smem:$0x3FAC]  }
0x30: {  	s3 =	sld [smem:$0x3FAF]  }
0x31: {  	[smem:$0x3FB8] =	sst s10  }
0x32: {  	s10 =	sld [smem:$0x3FB6];
	_ =	sdelay $0x3  }
0x33: {  	p0 =	seq.s32 s10, $0x1;
	s10 =	sld [smem:$0x3FB8];
	_ =	sdelay $0x3  }
0x34: {  	[smem:$0x3FB8] =	sst s10  }
0x35: {  	s10 =	sld [smem:$0x3FB7];
	_ =	sdelay $0x3  }
0x36: {  	p1 =	seq.s32 s10, $0x1;
	s10 =	sld [smem:$0x3FB8];
	_ =	sdelay $0x3  }
0x37: {  	[smem:$0x3FB8] =	sst s10  }
0x38: {  	s10 =	sld [smem:$0x3FB9]  }
0x39: {  	_ = 	snop;
	(pc) =	sbr.ind lr, $3  }
0x3a: {  	_ = 	snop  }
0x3b: {  	_ = 	snop  }
0x3c: {  	p2 =	seq.s32 s10, $0x1;
	s10 =	sld [smem:$0x3FB8]  }
0x3d: {  	_ =	shalt  }
0x3e: {  	_ =	shalt  }
0x3f: {  	_ =	shalt  }
0x40: {  	_ =	shalt  }
0x41: {  	_ =	shalt  }
0x42: {  	_ =	shalt  }
0x43: {  	_ =	shalt  }
0x44: {  	_ =	shalt  }
0x45: {  	_ =	shalt  }
0x46: {  	_ =	shalt  }
0x47: {  	_ =	shalt  }
0x48: {  	_ =	shalt  }
0x49: {  	_ =	shalt  }
0x4a: {  	_ =	shalt  }
0x4b: {  	_ =	shalt  }
0x4c: {  	_ =	shalt  }
0x4d: {  	_ =	shalt  }
0x4e: {  	_ =	shalt  }
0x4f: {  	_ =	shalt  }
0x50: {  	_ =	shalt  }
0x51: {  	_ =	shalt  }
0x52: {  	_ =	shalt  }
0x53: {  	_ =	shalt  }
0x54: {  	_ =	shalt  }
0x55: {  	_ =	shalt  }
0x56: {  	_ =	shalt  }
0x57: {  	_ =	shalt  }
0x58: {  	_ =	shalt  }
0x59: {  	_ =	shalt  }
0x5a: {  	_ =	shalt  }
0x5b: {  	_ =	shalt  }
0x5c: {  	_ =	shalt  }
0x5d: {  	_ =	shalt  }
0x5e: {  	_ =	shalt  }
0x5f: {  	_ =	shalt  }
0x60: {  	_ =	shalt  }
0x61: {  	_ =	shalt  }
0x62: {  	_ =	shalt  }
0x63: {  	_ =	shalt  }
0x64: {  	_ =	shalt  }
0x65: {  	_ =	shalt  }
0x66: {  	_ =	shalt  }
0x67: {  	_ =	shalt  }
0x68: {  	_ =	shalt  }
0x69: {  	_ =	shalt  }
0x6a: {  	_ =	shalt  }
0x6b: {  	_ =	shalt  }
0x6c: {  	_ =	shalt  }
0x6d: {  	_ =	shalt  }
0x6e: {  	_ =	shalt  }
0x6f: {  	_ =	shalt  }
0x70: {  	_ =	shalt  }
0x71: {  	_ =	shalt  }
0x72: {  	_ =	shalt  }
0x73: {  	_ =	shalt  }
0x74: {  	_ =	shalt  }
0x75: {  	_ =	shalt  }
0x76: {  	_ =	shalt  }
0x77: {  	_ =	shalt  }
0x78: {  	_ =	shalt  }
0x79: {  	_ =	shalt  }
0x7a: {  	_ =	shalt  }
0x7b: {  	_ =	shalt  }
0x7c: {  	_ =	shalt  }
0x7d: {  	_ =	shalt  }
0x7e: {  	_ =	shalt  }
0x7f: {  	_ =	shalt  }
0x80: {  	_ =	shalt  }
0x81: {  	_ =	shalt  }
0x82: {  	_ =	shalt  }
0x83: {  	_ =	shalt  }
0x84: {  	_ =	shalt  }
0x85: {  	_ =	shalt  }
0x86: {  	_ =	shalt  }
0x87: {  	_ =	shalt  }
.Lfunc_end0:
.L_simem_size_0:
called_computation_lowered:
.L_overlay_start_0:
0x88: {  	s2 =	sld [smem:$0x3FD9]  }
0x89: {  	s3 =	sld [smem:$0x3FFE];
	_ =	sdelay $0x1  }
0x8a: {  	s1 =	srdreg.scid  }
0x8b: {  	s0 =	sand.u32 $0x1, s1  }
0x8c: {  	s17 =	sshll.u32 s0, $0xA;
	s2 =	sadd.s32 s3, s2  }
0x8d: {  	s2 =	sadd.s32 s2, s17  }
0x8e: {  	[smem:$0x3FC4] =	sst s2  }
0x8f: {  	_ = 	snop  }
0x90: {  	s2 =	sld [smem:$0x3FD0];
	(tm) =	ssettm $0x1  }
0x91: {  	s18 =	sld [smem:$0x3FFB];
	_ =	sdelay $0x3  }
0x92: {  	_ =	strace s18  }
0x93: {  	s3 =	sld [smem:$0x3FFC];
	_ =	sdelay $0x3  }
0x94: {  	_ =	strace s3  }
0x95: {  	s3 =	sld [smem:$0x3FFD];
	_ =	sdelay $0x3  }
0x96: {  	_ =	strace s3  }
0x97: {  	_ =	strace $0x8FFFFFFF  }
0x98: {  	s19 =	sld [smem:$0x3FDB];
	_ =	sdelay $0x1  }
0x99: {  	s4 =	simm.s32 $_scs_section_size  }
0x9a: {  	s5 =	simm.s32 $_size__tile_overlayer_lowered;
	s6 =	simm.s32 $_tile_overlayer_lowered  }
0x9b: {  	s22 =	simm.s32 $0x1BFF;
	s21 =	sshll.u32 s6, $0x1;
	s3 =	sadd.s32 s4, s19  }
0x9c: {  	s7 =	simm.s32 $0x0;
	s20 =	sshll.u32 s5, $0x1;
	s5 =	sadd.s32 s21, s3  }
0x9d: {  	[timem:s7], [sflag:s22] =	dma.local [hbm:s5], s20  }
0x9e: {  	_ =	swait.ge [sflag:s22], s20  }
0x9f: {  	s4 =	ssub.s32 $0x0, s20;
	[sflag:s22] =	ssyncset.done $0x0  }
0xa0: {  	[sflag:s22] =	ssyncadd.s32 s4;
	_ =	sdelay $0x1  }
0xa1: {  	s23 =	simm.s32 $0x1B8B  }
0xa2: {  	_ =	swait.ge [sflag:s23], $0x1  }
0xa3: {  	[sflag:s23] =	ssyncset.done $0x0  }
0xa4: {  	s25 =	simm.s32 $0x1B8E;
	s24 =	sld [smem:$0x3FFE];
	[sflag:s23] =	ssyncadd.s32 $0xFFFFFFFF  }
0xa5: {  	s26 =	simm.s32 $execute0_lowered;
	[smem:$0x3FD2] =	sst s25  }
0xa6: {  	s5 =	sshll.u32 s26, $0x1;
	_ =	strace $0x80000046;
	[dreg:$0x1] =	wrdreg $0xFFFFFFFF  }
0xa7: {  	s28 =	simm.s32 $_size_execute0_lowered;
	s3 =	sadd.s32 s3, s5;
	[dreg:$0x0] =	wrdreg $0x0  }
0xa8: {  	s5 =	sshll.u32 s28, $0x1;
	[dreg:$0x2] =	wrdreg s3  }
0xa9: {  	[dreg:$0x3] =	wrdreg s5  }
0xaa: {  	[dreg:$0x4] =	wrdreg $0xC0  }
0xab: {  	_ =	task [dreg:s7], $0x5FFFF  }
0xac: {  	[dreg:$0x1] =	wrdreg $0xFFFFFFFF  }
0xad: {  	[dreg:$0x0] =	wrdreg $0x60  }
0xae: {  	[dreg:$0x2] =	wrdreg s24  }
0xaf: {  	[dreg:$0x3] =	wrdreg s2  }
0xb0: {  	[dreg:$0x4] =	wrdreg $0x9  }
0xb1: {  	_ =	task.clear_ibuf [dreg:s7], $0x5FFFF;
	_ =	strace $0x90000046  }
0xb2: {  	s29 =	simm.s32 $0x9;
	_ =	strace $0x80000048  }
0xb3: {  	_ =	swait.ge [sflag:s29], $0x1  }
0xb4: {  	[sflag:s29] =	ssyncadd.s32 $0xFFFFFFFF  }
0xb5: {  	_ =	strace $0x90000048  }
0xb6: {  	_ =	sfence  }
0xb7: {  	s30 =	sld [smem:$0x0];
	_ =	sdelay $0x2  }
0xb8: {  	s31 =	sshll.u32 s1, $0xD;
	s1 =	sshrl.u32 s1, $0x2  }
0xb9: {  	s3 =	sand.u32 $0x4000, s31;
	s1 =	sadd.s32 s1, s30  }
0xba: {  	s0 =	sor.u32 s3, s0;
	s1 =	sshll.u32 s1, $0x11  }
0xbb: {  	s0 =	sor.u32 s1, s0  }
0xbc: {  	s0 =	sadd.s32 $0x8F2B, s0  }
0xbd: {  	[sflag:s0] =	ssyncadd.remote.s32 $0x1  }
0xbe: {  	_ =	sfence.sel $0xFFFF  }
0xbf: {  	[dreg:$0x0] =	wrdreg $0xFFFFFFFF;
	(pc) =	sbr.abs _section_cstart, $3  }
0xc0: {  	[dreg:$0x1] =	wrdreg $0xFFFFFFFF  }
0xc1: {  	_ =	task.clear_ibuf [dreg:s7], $0x2FFFF;
	_ =	strace $0x9FFFFFFF  }
0xc2: {  	(tm) =	ssettm $0x7FFFFFFF  }
0xc3: {  	_ =	shalt  }
tec
execute0_lowered:
.L_overlay_start_1:
0x0: {  	(tag) =	ssettag $0x1  }
0x1: {  	s8 =	rddreg [dreg:$0x0]  }
0x2: {  	s10 =	rddreg [dreg:$0x1]  }
0x3: {  	s0 =	rddreg [dreg:$0x2]  }
0x4: {  	s2 =	simm.s32 $0x0;
	s3 =	srdreg.scid;
	s1 =	stileid.u32  }
0x5: {  	s14 =	simm.s32 $0x1000;
	s15 =	simm.s32 $0x1800;
	s16 =	simm.s32 $0x3000  }
0x6: {  	s17 =	simm.s32 $0x3040;
	s18 =	simm.s32 $0x2000;
	s19 =	simm.s32 $0x2800  }
0x7: {  	s20 =	simm.s32 $0x3050;
	s21 =	simm.s32 $0x3090;
	s22 =	simm.s32 $0x0  }
0x8: {  	[smem:$0x7FF] =	sst s2;
	s7 =	sand.u32 $0x1, s3;
	s4 =	sshll.u32 s1, $0x1  }
0x9: {  	s3 =	sadd.s32 $0x1600, s8;
	s5 =	sadd.s32 $0x1200, s8;
	s9 =	sor.u32 s7, s4  }
0xa: {  	v0 =	vlaneseq.u32;
	s6 =	sadd.s32 $0x1400, s8;
	_ =	strace $0x80000047;
	s11 =	smul.u32 $0x2C, s9  }
0xb: {  	v1 =	vshrl.u32 v0, $0x3;
	s4 =	sadd.s32 $0x1800, s8;
	s12 =	ssub.s32 $0x2, s7;
	s13 =	smul.u32 $0x160, s9  }
0xc: {  	v2 =	vmul.u32 $0xFFFFFFFF, v0;
	s7 =	sadd.s32 $0xE00, s8;
	s8 =	sadd.s32 $0x1000, s8;
	v3 =	vor.u32 $0x10, v1;
	v4 =	vor.u32 $0x20, v1;
	s31 =	sshrl.u32 s12, $0x1  }
0xd: {  	v5 =	vor.u32 $0x30, v1;
	v6 =	vor.u32 $0x2, v1;
	v7 =	vor.u32 $0x12, v1;
	s12 =	ssub.s32 s12, s31;
	s9 =	sadd.s32 $0x280, s11;
	s10 =	sadd.s32 s10, s13  }
0xe: {  	v8 =	vor.u32 $0x22, v1;
	v9 =	vor.u32 $0x32, v1;
	v2 =	vadd.s32 $0xF, v2;
	s11 =	smax.u32 s12, $0x1;
	s12 =	simm.s32 $0x1;
	s13 =	simm.s32 $0x800  }
.LBB2_1:
0xf: {  	[tilespmem:s2], [sflag:$0x1] =	stream.linear.gather [hbm4b:s3+s2], $0x800, $0x38;
	[tilespmem:$0x3B90] =	vst v63  }
0x10: {  	_ =	swait.ge [sflag:s12], $0x800  }
0x11: {  	[sflag:s12] =	ssyncset.done $0x0  }
0x12: {  	[sflag:s12] =	ssyncadd.s32 $0xFFFFF800  }
0x13: {  	[tilespmem:s13], [sflag:$0x1] =	stream.linear.gather [hbm4b:s4+s2], $0x800, $0x38;
	[tilespmem:$0x3B90] =	vst v63  }
0x14: {  	_ =	swait.ge [sflag:s12], $0x800  }
0x15: {  	[sflag:s12] =	ssyncset.done $0x0  }
0x16: {  	[sflag:s12] =	ssyncadd.s32 $0xFFFFF800  }
0x17: {  	[tilespmem:s14], [sflag:$0x1] =	stream.linear.gather [hbm4b:s5+s2], $0x800, $0x38;
	[tilespmem:$0x3B90] =	vst v63  }
0x18: {  	_ =	swait.ge [sflag:s12], $0x800  }
0x19: {  	[sflag:s12] =	ssyncset.done $0x0  }
0x1a: {  	[sflag:s12] =	ssyncadd.s32 $0xFFFFF800  }
0x1b: {  	[tilespmem:s15], [sflag:$0x1] =	stream.linear.gather [hbm4b:s6+s2], $0x800, $0x38;
	[tilespmem:$0x3B90] =	vst v63  }
0x1c: {  	_ =	swait.ge [sflag:s12], $0x800  }
0x1d: {  	[sflag:s12] =	ssyncset.done $0x0  }
0x1e: {  	[sflag:s12] =	ssyncadd.s32 $0xFFFFF800  }
0x1f: {  	[tilespmem:s16], [sflag:$0x1] =	stream.linear.gather [hbm4b:s7+s2], $0x40, $0x38;
	[tilespmem:$0x3B90] =	vst v63  }
0x20: {  	_ =	swait.ge [sflag:s12], $0x40  }
0x21: {  	[sflag:s12] =	ssyncset.done $0x0  }
0x22: {  	[sflag:s12] =	ssyncadd.s32 $0xFFFFFFC0  }
0x23: {  	[tilespmem:s17], [sflag:$0x1] =	stream.linear.gather [hbm4b:s8+s2], $0x10, $0x38;
	[tilespmem:$0x3B90] =	vst v63  }
0x24: {  	_ =	swait.ge [sflag:s12], $0x10  }
0x25: {  	[sflag:s12] =	ssyncset.done $0x0  }
0x26: {  	s23 =	simm.s32 $0x0;
	[sflag:s12] =	ssyncadd.s32 $0xFFFFFFF0  }
0x27: {  	v10 =	vld [tilespmem:s23+$0x1800]  }
0x28: {  	v12 =	vld [tilespmem:s23+$0x800]  }
0x29: {  	v11 =	vld [tilespmem:s23+$0x1000]  }
0x2a: {  	v13 =	vld [tilespmem:s23+$0x0]  }
0x2b: {  	s24 =	simm.s32 $0x40  }
.LBB2_2:
0x2c: {  	s25 =	sshra.s32 s24, $0x2;
	p0 =	sne.s32 s24, $0x1FC0  }
.Ltmp0:
0x2d: {  	s24 =	sadd.s32 $0x40, s24;
	v14 =	vsub.f32 v10, v12;
	v10 =	vld [tilespmem:s25+$0x1800];
	(pc) =	sbr.rel @p0 .LBB2_2-.Ltmp0, $4  }
0x2e: {  	v12 =	vld [tilespmem:s25+$0x800]  }
0x2f: {  	v15 =	vsub.f32 v11, v13;
	v11 =	vld [tilespmem:s25+$0x1000];
	[tilespmem:s23+$0x2800] =	vst v14  }
0x30: {  	v13 =	vld [tilespmem:s25+$0x0]  }
0x31: {  	[tilespmem:s23+$0x2000] =	vst v15;
	s23 =	smov.u32 s25  }
0x32: {  	_ =	sdelay $0x1  }
0x33: {  	v10 =	vsub.f32 v10, v12  }
0x34: {  	v11 =	vsub.f32 v11, v13  }
0x35: {  	[tilespmem:s23+$0x2800] =	vst v10  }
0x36: {  	[tilespmem:s23+$0x2000] =	vst v11  }
0x37: {  	v10 =	vld [tilespmem:$0x3040]  }
0x38: {  	v11 =	vld [tilespmem:$0x3000]  }
0x39: {  	v12 =	vld [tilespmem:$0x3010]  }
0x3a: {  	v13 =	vld [tilespmem:$0x3020]  }
0x3b: {  	s24 =	simm.s32 $0x0;
	s23 =	simm.s32 $0x0;
	v14 =	vld [tilespmem:$0x3030]  }
.LBB2_4:
0x3c: {  	s25 =	sshll.u32 s24, $0x2  }
0x3d: {  	s29 =	sadd.s32 s9, s25  }
0x3e: {  	s28 =	sor.u32 $0x1, s25;
	v32 =	vmov s29  }
0x3f: {  	s26 =	sor.u32 $0x2, s25;
	s25 =	sadd.s32 s9, s28  }
0x40: {  	s31 =	simm.s32 $0x1800;
	v29 =	vmov s25  }
0x41: {  	v20 =	vld [tilespmem:s31+$0x0];
	s29 =	simm.s32 $0x1000;
	s25 =	sadd.s32 s9, s26  }
0x42: {  	v19 =	vld [tilespmem:s29+$0x0];
	v30 =	vmov s25;
	s25 =	sshllo.u32 s24, $0x2  }
0x43: {  	s30 =	sadd.s32 s9, s25;
	v25 =	vld.idx.msk [tilespmem:v32+s29+$0x0], $0xffff  }
0x44: {  	v31 =	vmov s30;
	v26 =	vld.idx.msk [tilespmem:v32+s31+$0x0], $0xffff  }
0x45: {  	v21 =	vld.idx.msk [tilespmem:v29+s29+$0x0], $0xffff  }
0x46: {  	v22 =	vld.idx.msk [tilespmem:v29+s31+$0x0], $0xffff  }
0x47: {  	v17 =	vld.idx.msk [tilespmem:v30+s29+$0x0], $0xffff  }
0x48: {  	v18 =	vld.idx.msk [tilespmem:v30+s31+$0x0], $0xffff  }
0x49: {  	v15 =	vld.idx.msk [tilespmem:v31+s29+$0x0], $0xffff  }
0x4a: {  	v16 =	vld.idx.msk [tilespmem:v31+s31+$0x0], $0xffff;
	v23 =	vsub.f32 v19, v25  }
0x4b: {  	v24 =	vsub.f32 v20, v26;
	v28 =	vsub.f32 v19, v21  }
0x4c: {  	v27 =	vor.u32 s23, v0;
	v33 =	vsub.f32 v20, v22;
	v34 =	vsub.f32 v19, v17  }
0x4d: {  	v35 =	vsub.f32 v20, v18;
	v23 =	vmul.f32 v23, v23;
	v24 =	vmul.f32 v24, v24  }
0x4e: {  	v28 =	vmul.f32 v28, v28;
	v33 =	vmul.f32 v33, v33;
	v19 =	vsub.f32 v19, v15  }
0x4f: {  	vm0 =	veq.s32 v27, v32;
	v20 =	vsub.f32 v20, v16;
	v23 =	vadd.f32 v24, v23  }
0x50: {  	s29 =	simm.s32 $0x1010;
	v24 =	vmul.f32 v34, v34;
	v51 =	vmul.f32 v35, v35;
	v28 =	vadd.f32 v33, v28  }
0x51: {  	v52 =	vld [tilespmem:s29+$0x0];
	s29 =	simm.s32 $0x1810;
	v19 =	vmul.f32 v19, v19;
	v20 =	vmul.f32 v20, v20;
	v23 =	vsel vm0, $0x7F800000, v23  }
0x52: {  	vm0 =	veq.s32 v27, v29;
	v24 =	vadd.f32 v51, v24;
	(xrf1) =	vsort.ascd.msk.f32 $0xffff, v23, v27;
	v23 =	vld [tilespmem:s29+$0x0]  }
0x53: {  	v28 =	vsel vm0, $0x7F800000, v28;
	vm0 =	veq.s32 v27, v30;
	v19 =	vadd.f32 v20, v19  }
0x54: {  	v20 =	vsel vm0, $0x7F800000, v24;
	(xrf1) =	vsort.ascd.msk.f32 $0xffff, v28, v27;
	vm0 =	veq.s32 v27, v31  }
0x55: {  	(xrf1) =	vsort.ascd.msk.f32 $0xffff, v20, v27;
	v19 =	vsel vm0, $0x7F800000, v19  }
0x56: {  	v53 =	vsub.f32 v52, v17;
	v33 =	vsub.f32 v52, v15;
	(xrf1) =	vsort.ascd.msk.f32 $0xffff, v19, v27  }
0x57: {  	v19 =	vsub.f32 v52, v25;
	v20 =	vsub.f32 v23, v26  }
0x58: {  	v27 =	vsub.f32 v52, v21;
	v28 =	vsub.f32 v23, v22  }
0x59: {  	s29 =	simm.s32 $0x10;
	v54 =	vsub.f32 v23, v18;
	v19 =	vmul.f32 v19, v19;
	v20 =	vmul.f32 v20, v20  }
0x5a: {  	v24 =	vor.u32 s29, v0;
	v27 =	vmul.f32 v27, v27;
	v28 =	vmul.f32 v28, v28  }
0x5b: {  	s30 =	simm.s32 $0x1820;
	v23 =	vsub.f32 v23, v16;
	v55 =	vmul.f32 v54, v54;
	v19 =	vadd.f32 v20, v19  }
0x5c: {  	v39 =	vld [tilespmem:s30+$0x0];
	v20 =	vmul.f32 v53, v53;
	v27 =	vadd.f32 v28, v27;
	v28 =	vmul.f32 v33, v33  }
0x5d: {  	vm0 =	veq.s32 v24, v32;
	v23 =	vmul.f32 v23, v23  }
0x5e: {  	v19 =	vsel vm0, $0x7F800000, v19;
	vm0 =	veq.s32 v24, v29;
	v20 =	vadd.f32 v55, v20  }
0x5f: {  	v23 =	vadd.f32 v23, v28;
	v27 =	vsel vm0, $0x7F800000, v27;
	vm0 =	veq.s32 v24, v30;
	(xrf1) =	vsort.ascd.msk.f32 $0xffff, v19, v24  }
0x60: {  	v20 =	vsel vm0, $0x7F800000, v20;
	vm0 =	veq.s32 v24, v31;
	(xrf1) =	vsort.ascd.msk.f32 $0xffff, v27, v24;
	v28, v33, _ =	vpop (xrf1)  }
0x61: {  	v61 =	vsub.f32 v39, v26;
	v23 =	vsel vm0, $0x7F800000, v23;
	(xrf1) =	vsort.ascd.msk.f32 $0xffff, v20, v24;
	v20 =	vperm.xlane v28, v2  }
0x62: {  	v19 =	vimm.f32 $+Inf;
	v27, v56, _ =	vpop (xrf1);
	v33 =	vperm.xlane v33, v2;
	v28 =	vimm.s32 $0x0;
	(xrf1) =	vsort.ascd.msk.f32 $0xffff, v23, v24  }
0x63: {  	v57, v36, _ =	vpop (xrf1);
	v34 =	vperm.xlane v56, v2;
	v23 =	vperm.xlane v27, v2;
	vm0 =	vle.f32 v19, v20  }
0x64: {  	v24 =	vperm.xlane v36, v2;
	v58 =	vperm.xlane v57, v2;
	v27, v38, _ =	vpop (xrf1);
	v20 =	vsel vm0, v19, v20  }
0x65: {  	s29 =	simm.s32 $0x1020;
	v33 =	vsel vm0, v28, v33;
	vm0 =	vle.f32 v19, v23;
	v40 =	vperm.xlane v27, v2  }
0x66: {  	v37 =	vld [tilespmem:s29+$0x0];
	v41 =	vsel vm0, v19, v23;
	v34 =	vsel vm0, v28, v34;
	(xrf1) =	vsort.ascd.msk.f32 $0xffff, v20, v33  }
0x67: {  	vm0 =	vle.f32 v19, v58;
	v20 =	vperm.xlane v38, v2;
	(xrf1) =	vsort.ascd.msk.f32 $0xffff, v41, v34  }
0x68: {  	v35 =	vld.idx.msk [tilespmem:v32+s18+$0x0], $0xffff;
	v59 =	vsel vm0, v19, v58;
	v24 =	vsel vm0, v28, v24;
	vm0 =	vle.f32 v19, v40  }
0x69: {  	v36 =	vld.idx.msk [tilespmem:v32+s19+$0x0], $0xffff;
	(xrf1) =	vsort.ascd.msk.f32 $0xffff, v59, v24;
	v60 =	vsel vm0, v19, v40;
	v20 =	vsel vm0, v28, v20  }
0x6a: {  	v62 =	vsub.f32 v39, v22;
	v27 =	vld.idx.msk [tilespmem:v29+s18+$0x0], $0xffff;
	(xrf1) =	vsort.ascd.msk.f32 $0xffff, v60, v20  }
0x6b: {  	v44 =	vsub.f32 v39, v18;
	v47 =	vmul.f32 v61, v61;
	v23 =	vld.idx.msk [tilespmem:v30+s18+$0x0], $0xffff;
	v24 =	vsub.f32 v37, v25  }
0x6c: {  	v45 =	vmul.f32 v62, v62;
	v43 =	vsub.f32 v39, v16;
	v19 =	vld.idx.msk [tilespmem:v31+s18+$0x0], $0xffff;
	v20 =	vsub.f32 v37, v21  }
0x6d: {  	s31 =	simm.s32 $0x20;
	v44 =	vmul.f32 v44, v44;
	v63 =	vsub.f32 v37, v17;
	v28 =	vld.idx.msk [tilespmem:v29+s19+$0x0], $0xffff;
	v46 =	vmul.f32 v24, v24  }
0x6e: {  	v33 =	vor.u32 s31, v0;
	v40 =	vsub.f32 v37, v15;
	v24 =	vld.idx.msk [tilespmem:v30+s19+$0x0], $0xffff;
	v42 =	vmul.f32 v20, v20;
	v39, v38, _ =	vpop (xrf1)  }
0x6f: {  	s31 =	simm.s32 $0x30;
	v41 =	vmul.f32 v63, v63;
	vm0 =	veq.s32 v33, v32;
	v20 =	vld.idx.msk [tilespmem:v31+s19+$0x0], $0xffff;
	v46 =	vadd.f32 v47, v46;
	v34, v37, _ =	vpop (xrf1)  }
.LBB2_5:
0x70: {  	p0 =	sne.s32 s31, $0x7F0;
	v53 =	vadd.f32 v45, v42;
	v40 =	vmul.f32 v40, v40;
	v43 =	vmul.f32 v43, v43;
	v45, v47, _ =	vpop (xrf1)  }
0x71: {  	v46 =	vsel vm0, $0x7F800000, v46;
	vm0 =	veq.s32 v33, v29;
	v51 =	vadd.f32 v44, v41;
	v44, v48, _ =	vpop (xrf1)  }
0x72: {  	v49 =	vsel vm0, $0x7F800000, v53;
	vm0 =	veq.s32 v33, v30;
	v52 =	vadd.f32 v43, v40;
	(xrf1) =	vsort.ascd.msk.f32 $0xffff, v46, v33  }
0x73: {  	v38 =	vperm.xlane v38, v2;
	v50 =	vsel vm0, $0x7F800000, v51;
	vm0 =	veq.s32 v33, v31;
	(xrf1) =	vsort.ascd.msk.f32 $0xffff, v49, v33  }
0x74: {  	v37 =	vperm.xlane v37, v2;
	v51 =	vperm.xlane v39, v2;
	v46 =	vsel vm0, $0x7F800000, v52;
	(xrf1) =	vsort.ascd.msk.f32 $0xffff, v50, v33;
	v41, v42, _ =	vpop (xrf1)  }
0x75: {  	s29 =	sadd.s32 $0x10, s29;
	(xrf1) =	vsort.ascd.msk.f32 $0xffff, v46, v33;
	v33 =	vperm.xlane v34, v2;
	v34 =	vperm.xlane v47, v2;
	v40, v43, _ =	vpop (xrf1)  }
0x76: {  	s30 =	sadd.s32 $0x10, s30;
	v45 =	vperm.xlane v45, v2;
	v44 =	vperm.xlane v44, v2;
	vm0 =	vle.f32 v41, v51;
	v46 =	vld [tilespmem:s29+$0x0]  }
0x77: {  	v50 =	vsel vm0, v41, v51;
	v49 =	vsel vm0, v42, v38;
	v47 =	vld [tilespmem:s30+$0x0];
	vm0 =	vle.f32 v40, v33;
	v41, v42, _ =	vpop (xrf1)  }
0x78: {  	v33 =	vsel vm0, v40, v33;
	v37 =	vsel vm0, v43, v37;
	(xrf1) =	vsort.ascd.msk.f32 $0xffff, v50, v49;
	v38, v39, _ =	vpop (xrf1)  }
0x79: {  	vm0 =	vle.f32 v41, v45;
	v40 =	vperm.xlane v48, v2;
	(xrf1) =	vsort.ascd.msk.f32 $0xffff, v33, v37  }
0x7a: {  	v33 =	vsel vm0, v41, v45;
	v34 =	vsel vm0, v42, v34;
	vm0 =	vle.f32 v38, v44  }
0x7b: {  	v37 =	vsel vm0, v38, v44;
	v38 =	vsel vm0, v39, v40;
	(xrf1) =	vsort.ascd.msk.f32 $0xffff, v33, v34  }
0x7c: {  	v34 =	vsub.f32 v46, v25;
	v39 =	vsub.f32 v47, v26;
	(xrf1) =	vsort.ascd.msk.f32 $0xffff, v37, v38  }
.Ltmp1:
0x7d: {  	v33 =	vor.u32 s31, v0;
	v51 =	vsub.f32 v46, v21;
	v49 =	vsub.f32 v47, v22;
	(pc) =	sbr.rel @p0 .LBB2_5-.Ltmp1, $4  }
0x7e: {  	v41 =	vsub.f32 v46, v17;
	vm0 =	veq.s32 v33, v32;
	v44 =	vsub.f32 v47, v18  }
0x7f: {  	v40 =	vsub.f32 v46, v15;
	v50 =	vmul.f32 v34, v34;
	v48 =	vmul.f32 v39, v39  }
0x80: {  	v43 =	vsub.f32 v47, v16;
	v42 =	vmul.f32 v51, v51;
	v45 =	vmul.f32 v49, v49;
	v39, v38, _ =	vpop (xrf1)  }
0x81: {  	s31 =	sadd.s32 $0x10, s31;
	v41 =	vmul.f32 v41, v41;
	v44 =	vmul.f32 v44, v44;
	v46 =	vadd.f32 v48, v50;
	v34, v37, _ =	vpop (xrf1)  }
0x82: {  	v32 =	vadd.f32 v45, v42  }
0x83: {  	v40 =	vmul.f32 v40, v40;
	v56 =	vmul.f32 v43, v43;
	vm6 =	veq.s32 v33, v29  }
0x84: {  	v58, v59, _ =	vpop (xrf1);
	vm1 =	veq.s32 v33, v30;
	v57 =	vsel vm0, $0x7F800000, v46;
	v60 =	vadd.f32 v44, v41  }
0x85: {  	v39 =	vperm.xlane v39, v2;
	v62, v61, _ =	vpop (xrf1);
	v32 =	vsel vm6, $0x7F800000, v32;
	v40 =	vadd.f32 v56, v40;
	(xrf1) =	vsort.ascd.msk.f32 $0xffff, v57, v33  }
0x86: {  	vm7 =	veq.s32 v33, v31;
	v63 =	vperm.xlane v38, v2;
	v29 =	vsel vm1, $0x7F800000, v60;
	(xrf1) =	vsort.ascd.msk.f32 $0xffff, v32, v33;
	v44, v47, _ =	vpop (xrf1)  }
0x87: {  	v40 =	vsel vm7, $0x7F800000, v40;
	(xrf1) =	vsort.ascd.msk.f32 $0xffff, v29, v33;
	vm8 =	vle.f32 v44, v39  }
0x88: {  	(xrf1) =	vsort.ascd.msk.f32 $0xffff, v40, v33;
	v48 =	vsel vm8, v44, v39;
	v31 =	vsel vm8, v47, v63  }
0x89: {  	(xrf1) =	vsort.ascd.msk.f32 $0xffff, v48, v31;
	_ =	sdelay $0x6  }
0x8a: {  	v29, v31, _ =	vpop (xrf1)  }
0x8b: {  	v49 =	vperm.xlane v34, v2;
	v50, v51, _ =	vpop (xrf1)  }
0x8c: {  	v37 =	vperm.xlane v37, v2;
	v52 =	vperm.xlane v58, v2;
	v53, v54, _ =	vpop (xrf1)  }
0x8d: {  	v55 =	vperm.xlane v59, v2;
	v30 =	vperm.xlane v62, v2;
	v56, v57, _ =	vpop (xrf1)  }
0x8e: {  	v58 =	vperm.xlane v61, v2;
	vm9 =	vle.f32 v29, v49;
	vm10 =	vle.f32 v50, v52;
	v32, v47, _ =	vpop (xrf1)  }
0x8f: {  	v29 =	vsel vm9, v29, v49;
	v31 =	vsel vm9, v31, v37;
	v38 =	vsel vm10, v50, v52;
	v40, v39, _ =	vpop (xrf1)  }
0x90: {  	v59 =	vsel vm10, v51, v55;
	vm11 =	vle.f32 v53, v30;
	v60 =	vperm.xlane v56, v2;
	v34, v33, _ =	vpop (xrf1)  }
0x91: {  	v61 =	vsel vm11, v53, v30;
	(xrf1) =	vsort.ascd.msk.f32 $0xffff, v29, v31;
	v62 =	vperm.xlane v57, v2;
	v63, v45, _ =	vpop (xrf1)  }
0x92: {  	v37 =	vsel vm11, v54, v58;
	(xrf1) =	vsort.ascd.msk.f32 $0xffff, v38, v59;
	vm12 =	vle.f32 v63, v60  }
0x93: {  	(xrf1) =	vsort.ascd.msk.f32 $0xffff, v61, v37;
	v46 =	vsel vm12, v63, v60;
	v30 =	vsel vm12, v45, v62  }
0x94: {  	(xrf1) =	vsort.ascd.msk.f32 $0xffff, v46, v30;
	_ =	sdelay $0xa  }
0x95: {  	v43, v44, _ =	vpop (xrf1)  }
0x96: {  	v42, v41, _ =	vpop (xrf1)  }
0x97: {  	v38, v37, _ =	vpop (xrf1)  }
0x98: {  	v29, v30, _ =	vpop (xrf1);
	_ =	sdelay $0x3  }
0x99: {  	v29 =	vld.idx.msk [tilespmem:v30+s14+$0x0], $0xffff  }
0x9a: {  	v48 =	vld.idx.msk [tilespmem:v30+s15+$0x0], $0xffff  }
0x9b: {  	v49 =	vld.idx.msk [tilespmem:v30+s18+$0x0], $0xffff  }
0x9c: {  	v30 =	vld.idx.msk [tilespmem:v30+s19+$0x0], $0xffff;
	_ =	sdelay $0x1  }
0x9d: {  	v25 =	vsub.f32 v29, v25  }
0x9e: {  	v26 =	vsub.f32 v48, v26  }
0x9f: {  	v50 =	vsub.f32 v49, v35;
	[tilespmem:$0x3050] =	vst v25  }
0xa0: {  	v51 =	vsub.f32 v30, v36;
	[tilespmem:$0x3060] =	vst v26  }
0xa1: {  	[tilespmem:$0x3070] =	vst v50  }
0xa2: {  	[tilespmem:$0x3080] =	vst v51  }
0xa3: {  	v25 =	vld.idx.msk [tilespmem:v1+s20+$0x0], $0xffff;
	_ =	sdelay $0x1  }
0xa4: {  	v26 =	vld.idx.msk [tilespmem:v3+s20+$0x0], $0xffff;
	_ =	sdelay $0x1  }
0xa5: {  	v52 =	vld.idx.msk [tilespmem:v4+s20+$0x0], $0xffff  }
0xa6: {  	v25 =	vmul.f32 v25, v11  }
0xa7: {  	v53 =	vld.idx.msk [tilespmem:v5+s20+$0x0], $0xffff  }
0xa8: {  	v26 =	vmul.f32 v26, v12;
	v25 =	vadd.f32 v25, v10;
	_ =	sdelay $0x1  }
0xa9: {  	v54 =	vmul.f32 v52, v13;
	v25 =	vadd.f32 v26, v25;
	_ =	sdelay $0x1  }
0xaa: {  	v55 =	vmul.f32 v53, v14;
	v25 =	vadd.f32 v54, v25;
	_ =	sdelay $0x1  }
0xab: {  	v25 =	vadd.f32 v55, v25  }
0xac: {  	s29 =	sshll.u32 s24, $0x8  }
0xad: {  	s29 =	sand.u32 $0x3FFFFF00, s29;
	v25 =	vmax.f32 v25, $0.0e+00  }
0xae: {  	[tilespmem:s29+$0x3090] =	vst v25  }
0xaf: {  	v25 =	vld.idx.msk [tilespmem:v6+s20+$0x0], $0xffff;
	_ =	sdelay $0x1  }
0xb0: {  	v56 =	vld.idx.msk [tilespmem:v7+s20+$0x0], $0xffff;
	_ =	sdelay $0x1  }
0xb1: {  	v57 =	vld.idx.msk [tilespmem:v8+s20+$0x0], $0xffff  }
0xb2: {  	v25 =	vmul.f32 v25, v11  }
0xb3: {  	v58 =	vld.idx.msk [tilespmem:v9+s20+$0x0], $0xffff  }
0xb4: {  	v26 =	vmul.f32 v56, v12;
	v25 =	vadd.f32 v25, v10;
	_ =	sdelay $0x1  }
0xb5: {  	v59 =	vmul.f32 v57, v13;
	v25 =	vadd.f32 v26, v25;
	_ =	sdelay $0x1  }
0xb6: {  	v60 =	vmul.f32 v58, v14;
	v26 =	vadd.f32 v59, v25  }
0xb7: {  	v25 =	vor.u32 $0x4, v1  }
0xb8: {  	v29 =	vadd.f32 v60, v26  }
0xb9: {  	v26 =	vor.u32 $0x14, v1  }
0xba: {  	v29 =	vmax.f32 v29, $0.0e+00  }
0xbb: {  	[tilespmem:s29+$0x30A0] =	vst v29;
	v29 =	vor.u32 $0x24, v1  }
0xbc: {  	v61 =	vld.idx.msk [tilespmem:v25+s20+$0x0], $0xffff  }
0xbd: {  	v30 =	vor.u32 $0x34, v1  }
0xbe: {  	v62 =	vld.idx.msk [tilespmem:v26+s20+$0x0], $0xffff;
	_ =	sdelay $0x1  }
0xbf: {  	v63 =	vld.idx.msk [tilespmem:v29+s20+$0x0], $0xffff  }
0xc0: {  	v31 =	vmul.f32 v61, v11  }
0xc1: {  	v48 =	vld.idx.msk [tilespmem:v30+s20+$0x0], $0xffff  }
0xc2: {  	v35 =	vmul.f32 v62, v12;
	v31 =	vadd.f32 v31, v10;
	_ =	sdelay $0x1  }
0xc3: {  	v31 =	vadd.f32 v35, v31;
	v49 =	vmul.f32 v63, v13;
	_ =	sdelay $0x1  }
0xc4: {  	v50 =	vmul.f32 v48, v14;
	v35 =	vadd.f32 v49, v31  }
0xc5: {  	v51 =	vperm.xlane v32, v2;
	v31 =	vor.u32 $0x6, v1  }
0xc6: {  	v52 =	vperm.xlane v47, v2;
	v35 =	vadd.f32 v50, v35  }
0xc7: {  	v32 =	vor.u32 $0x16, v1;
	vm13 =	vle.f32 v43, v51  }
0xc8: {  	v53 =	vsel vm13, v43, v51;
	v54 =	vsel vm13, v44, v52;
	v35 =	vmax.f32 v35, $0.0e+00  }
0xc9: {  	(xrf1) =	vsort.ascd.msk.f32 $0xffff, v53, v54;
	[tilespmem:s29+$0x30B0] =	vst v35;
	v35 =	vor.u32 $0x26, v1  }
0xca: {  	v55 =	vld.idx.msk [tilespmem:v31+s20+$0x0], $0xffff  }
0xcb: {  	v36 =	vor.u32 $0x36, v1  }
0xcc: {  	v56 =	vld.idx.msk [tilespmem:v32+s20+$0x0], $0xffff;
	_ =	sdelay $0x1  }
0xcd: {  	v57 =	vld.idx.msk [tilespmem:v35+s20+$0x0], $0xffff  }
0xce: {  	v43 =	vmul.f32 v55, v11  }
0xcf: {  	v58 =	vld.idx.msk [tilespmem:v36+s20+$0x0], $0xffff  }
0xd0: {  	v44 =	vmul.f32 v56, v12;
	v43 =	vadd.f32 v43, v10;
	_ =	sdelay $0x1  }
0xd1: {  	v43 =	vadd.f32 v44, v43;
	v59 =	vmul.f32 v57, v13;
	_ =	sdelay $0x1  }
0xd2: {  	v60 =	vmul.f32 v58, v14;
	v43 =	vadd.f32 v59, v43;
	_ =	sdelay $0x1  }
0xd3: {  	v61, v62, _ =	vpop (xrf1);
	v43 =	vadd.f32 v60, v43;
	_ =	sdelay $0x1  }
0xd4: {  	v43 =	vmax.f32 v43, $0.0e+00  }
0xd5: {  	[tilespmem:s29+$0x30C0] =	vst v43  }
0xd6: {  	v43 =	vld.idx.msk [tilespmem:v62+s14+$0x0], $0xffff  }
0xd7: {  	v63 =	vld.idx.msk [tilespmem:v62+s15+$0x0], $0xffff  }
0xd8: {  	v45 =	vld.idx.msk [tilespmem:v62+s18+$0x0], $0xffff  }
0xd9: {  	v46 =	vld.idx.msk [tilespmem:v62+s19+$0x0], $0xffff;
	_ =	sdelay $0x1  }
0xda: {  	v21 =	vsub.f32 v43, v21  }
0xdb: {  	v22 =	vsub.f32 v63, v22  }
0xdc: {  	v45 =	vsub.f32 v45, v27;
	[tilespmem:$0x3050] =	vst v21  }
0xdd: {  	v46 =	vsub.f32 v46, v28;
	[tilespmem:$0x3060] =	vst v22  }
0xde: {  	[tilespmem:$0x3070] =	vst v45  }
0xdf: {  	[tilespmem:$0x3080] =	vst v46  }
0xe0: {  	v21 =	vld.idx.msk [tilespmem:v1+s20+$0x0], $0xffff;
	_ =	sdelay $0x1  }
0xe1: {  	v22 =	vld.idx.msk [tilespmem:v3+s20+$0x0], $0xffff;
	_ =	sdelay $0x1  }
0xe2: {  	v47 =	vld.idx.msk [tilespmem:v4+s20+$0x0], $0xffff  }
0xe3: {  	v21 =	vmul.f32 v21, v11  }
0xe4: {  	v48 =	vld.idx.msk [tilespmem:v5+s20+$0x0], $0xffff  }
0xe5: {  	v22 =	vmul.f32 v22, v12;
	v21 =	vadd.f32 v21, v10;
	_ =	sdelay $0x1  }
0xe6: {  	v49 =	vmul.f32 v47, v13;
	v21 =	vadd.f32 v22, v21;
	_ =	sdelay $0x1  }
0xe7: {  	v50 =	vmul.f32 v48, v14;
	v21 =	vadd.f32 v49, v21;
	_ =	sdelay $0x1  }
0xe8: {  	v21 =	vadd.f32 v50, v21  }
0xe9: {  	s28 =	sshll.u32 s28, $0x6  }
0xea: {  	s28 =	sand.u32 $0x3FFFFFC0, s28;
	v21 =	vmax.f32 v21, $0.0e+00  }
0xeb: {  	[tilespmem:s28+$0x3090] =	vst v21  }
0xec: {  	v21 =	vld.idx.msk [tilespmem:v6+s20+$0x0], $0xffff;
	_ =	sdelay $0x1  }
0xed: {  	v51 =	vld.idx.msk [tilespmem:v7+s20+$0x0], $0xffff;
	_ =	sdelay $0x1  }
0xee: {  	v52 =	vld.idx.msk [tilespmem:v8+s20+$0x0], $0xffff  }
0xef: {  	v21 =	vmul.f32 v21, v11  }
0xf0: {  	v53 =	vld.idx.msk [tilespmem:v9+s20+$0x0], $0xffff  }
0xf1: {  	v22 =	vmul.f32 v51, v12;
	v21 =	vadd.f32 v21, v10;
	_ =	sdelay $0x1  }
0xf2: {  	v54 =	vmul.f32 v52, v13;
	v21 =	vadd.f32 v22, v21;
	_ =	sdelay $0x1  }
0xf3: {  	v55 =	vmul.f32 v53, v14;
	v21 =	vadd.f32 v54, v21;
	_ =	sdelay $0x1  }
0xf4: {  	v21 =	vadd.f32 v55, v21;
	_ =	sdelay $0x1  }
0xf5: {  	v21 =	vmax.f32 v21, $0.0e+00  }
0xf6: {  	[tilespmem:s28+$0x30A0] =	vst v21  }
0xf7: {  	v21 =	vld.idx.msk [tilespmem:v25+s20+$0x0], $0xffff;
	_ =	sdelay $0x1  }
0xf8: {  	v56 =	vld.idx.msk [tilespmem:v26+s20+$0x0], $0xffff;
	_ =	sdelay $0x1  }
0xf9: {  	v57 =	vld.idx.msk [tilespmem:v29+s20+$0x0], $0xffff  }
0xfa: {  	v21 =	vmul.f32 v21, v11  }
0xfb: {  	v58 =	vld.idx.msk [tilespmem:v30+s20+$0x0], $0xffff  }
0xfc: {  	v22 =	vmul.f32 v56, v12;
	v21 =	vadd.f32 v21, v10;
	_ =	sdelay $0x1  }
0xfd: {  	v59 =	vmul.f32 v57, v13;
	v21 =	vadd.f32 v22, v21;
	_ =	sdelay $0x1  }
0xfe: {  	v60 =	vmul.f32 v58, v14;
	v21 =	vadd.f32 v59, v21  }
0xff: {  	v61 =	vperm.xlane v40, v2  }
0x100: {  	v62 =	vperm.xlane v39, v2;
	v21 =	vadd.f32 v60, v21  }
0x101: {  	vm14 =	vle.f32 v42, v61  }
0x102: {  	v39 =	vsel vm14, v41, v62;
	v63 =	vsel vm14, v42, v61;
	v21 =	vmax.f32 v21, $0.0e+00  }
0x103: {  	(xrf1) =	vsort.ascd.msk.f32 $0xffff, v63, v39;
	[tilespmem:s28+$0x30B0] =	vst v21  }
0x104: {  	v21 =	vld.idx.msk [tilespmem:v31+s20+$0x0], $0xffff;
	_ =	sdelay $0x1  }
0x105: {  	v40 =	vld.idx.msk [tilespmem:v32+s20+$0x0], $0xffff;
	_ =	sdelay $0x1  }
0x106: {  	v41 =	vld.idx.msk [tilespmem:v35+s20+$0x0], $0xffff  }
0x107: {  	v21 =	vmul.f32 v21, v11  }
0x108: {  	v42 =	vld.idx.msk [tilespmem:v36+s20+$0x0], $0xffff  }
0x109: {  	v22 =	vmul.f32 v40, v12;
	v21 =	vadd.f32 v21, v10;
	_ =	sdelay $0x1  }
0x10a: {  	v43 =	vmul.f32 v41, v13;
	v21 =	vadd.f32 v22, v21;
	_ =	sdelay $0x1  }
0x10b: {  	v44 =	vmul.f32 v42, v14;
	v21 =	vadd.f32 v43, v21;
	_ =	sdelay $0x1  }
0x10c: {  	v45, v46, _ =	vpop (xrf1);
	v21 =	vadd.f32 v44, v21;
	_ =	sdelay $0x1  }
0x10d: {  	v21 =	vmax.f32 v21, $0.0e+00  }
0x10e: {  	[tilespmem:s28+$0x30C0] =	vst v21  }
0x10f: {  	v21 =	vld.idx.msk [tilespmem:v46+s14+$0x0], $0xffff  }
0x110: {  	v47 =	vld.idx.msk [tilespmem:v46+s15+$0x0], $0xffff  }
0x111: {  	v27 =	vld.idx.msk [tilespmem:v46+s18+$0x0], $0xffff  }
0x112: {  	v28 =	vld.idx.msk [tilespmem:v46+s19+$0x0], $0xffff;
	_ =	sdelay $0x1  }
0x113: {  	v17 =	vsub.f32 v21, v17  }
0x114: {  	v18 =	vsub.f32 v47, v18  }
0x115: {  	v48 =	vsub.f32 v27, v23;
	[tilespmem:$0x3050] =	vst v17  }
0x116: {  	v49 =	vsub.f32 v28, v24;
	[tilespmem:$0x3060] =	vst v18  }
0x117: {  	[tilespmem:$0x3070] =	vst v48  }
0x118: {  	[tilespmem:$0x3080] =	vst v49  }
0x119: {  	v17 =	vld.idx.msk [tilespmem:v1+s20+$0x0], $0xffff;
	_ =	sdelay $0x1  }
0x11a: {  	v18 =	vld.idx.msk [tilespmem:v3+s20+$0x0], $0xffff;
	_ =	sdelay $0x1  }
0x11b: {  	v50 =	vld.idx.msk [tilespmem:v4+s20+$0x0], $0xffff  }
0x11c: {  	v17 =	vmul.f32 v17, v11  }
0x11d: {  	v51 =	vld.idx.msk [tilespmem:v5+s20+$0x0], $0xffff  }
0x11e: {  	v18 =	vmul.f32 v18, v12;
	v17 =	vadd.f32 v17, v10;
	_ =	sdelay $0x1  }
0x11f: {  	v52 =	vmul.f32 v50, v13;
	v17 =	vadd.f32 v18, v17;
	_ =	sdelay $0x1  }
0x120: {  	v53 =	vmul.f32 v51, v14;
	v17 =	vadd.f32 v52, v17;
	_ =	sdelay $0x1  }
0x121: {  	v17 =	vadd.f32 v53, v17  }
0x122: {  	s26 =	sshll.u32 s26, $0x6  }
0x123: {  	s26 =	sand.u32 $0x3FFFFFC0, s26;
	v17 =	vmax.f32 v17, $0.0e+00  }
0x124: {  	[tilespmem:s26+$0x3090] =	vst v17  }
0x125: {  	v17 =	vld.idx.msk [tilespmem:v6+s20+$0x0], $0xffff;
	_ =	sdelay $0x1  }
0x126: {  	v54 =	vld.idx.msk [tilespmem:v7+s20+$0x0], $0xffff;
	_ =	sdelay $0x1  }
0x127: {  	v55 =	vld.idx.msk [tilespmem:v8+s20+$0x0], $0xffff  }
0x128: {  	v17 =	vmul.f32 v17, v11  }
0x129: {  	v56 =	vld.idx.msk [tilespmem:v9+s20+$0x0], $0xffff  }
0x12a: {  	v18 =	vmul.f32 v54, v12;
	v17 =	vadd.f32 v17, v10;
	_ =	sdelay $0x1  }
0x12b: {  	v57 =	vmul.f32 v55, v13;
	v17 =	vadd.f32 v18, v17;
	_ =	sdelay $0x1  }
0x12c: {  	v58 =	vmul.f32 v56, v14;
	v17 =	vadd.f32 v57, v17;
	_ =	sdelay $0x1  }
0x12d: {  	v17 =	vadd.f32 v58, v17;
	_ =	sdelay $0x1  }
0x12e: {  	v17 =	vmax.f32 v17, $0.0e+00  }
0x12f: {  	[tilespmem:s26+$0x30A0] =	vst v17  }
0x130: {  	v17 =	vld.idx.msk [tilespmem:v25+s20+$0x0], $0xffff;
	_ =	sdelay $0x1  }
0x131: {  	v59 =	vld.idx.msk [tilespmem:v26+s20+$0x0], $0xffff;
	_ =	sdelay $0x1  }
0x132: {  	v60 =	vld.idx.msk [tilespmem:v29+s20+$0x0], $0xffff  }
0x133: {  	v17 =	vmul.f32 v17, v11  }
0x134: {  	v61 =	vld.idx.msk [tilespmem:v30+s20+$0x0], $0xffff  }
0x135: {  	v18 =	vmul.f32 v59, v12;
	v17 =	vadd.f32 v17, v10;
	_ =	sdelay $0x1  }
0x136: {  	v62 =	vmul.f32 v60, v13;
	v17 =	vadd.f32 v18, v17;
	_ =	sdelay $0x1  }
0x137: {  	v63 =	vmul.f32 v61, v14;
	v17 =	vadd.f32 v62, v17  }
0x138: {  	v24 =	vperm.xlane v34, v2  }
0x139: {  	v27 =	vperm.xlane v33, v2;
	v17 =	vadd.f32 v63, v17  }
0x13a: {  	vm15 =	vle.f32 v38, v24  }
0x13b: {  	v28 =	vsel vm15, v38, v24;
	v33 =	vsel vm15, v37, v27;
	v17 =	vmax.f32 v17, $0.0e+00  }
0x13c: {  	(xrf1) =	vsort.ascd.msk.f32 $0xffff, v28, v33;
	[tilespmem:s26+$0x30B0] =	vst v17  }
0x13d: {  	v17 =	vld.idx.msk [tilespmem:v31+s20+$0x0], $0xffff;
	_ =	sdelay $0x1  }
0x13e: {  	v34 =	vld.idx.msk [tilespmem:v32+s20+$0x0], $0xffff;
	_ =	sdelay $0x1  }
0x13f: {  	v37 =	vld.idx.msk [tilespmem:v35+s20+$0x0], $0xffff  }
0x140: {  	v17 =	vmul.f32 v17, v11  }
0x141: {  	v38 =	vld.idx.msk [tilespmem:v36+s20+$0x0], $0xffff  }
0x142: {  	v18 =	vmul.f32 v34, v12;
	v17 =	vadd.f32 v17, v10;
	_ =	sdelay $0x1  }
0x143: {  	v39 =	vmul.f32 v37, v13;
	v17 =	vadd.f32 v18, v17;
	_ =	sdelay $0x1  }
0x144: {  	v40 =	vmul.f32 v38, v14;
	v17 =	vadd.f32 v39, v17;
	_ =	sdelay $0x1  }
0x145: {  	v41, v42, _ =	vpop (xrf1);
	v17 =	vadd.f32 v40, v17;
	_ =	sdelay $0x1  }
0x146: {  	v17 =	vmax.f32 v17, $0.0e+00  }
0x147: {  	[tilespmem:s26+$0x30C0] =	vst v17  }
0x148: {  	v17 =	vld.idx.msk [tilespmem:v42+s14+$0x0], $0xffff  }
0x149: {  	v43 =	vld.idx.msk [tilespmem:v42+s15+$0x0], $0xffff  }
0x14a: {  	v22 =	vld.idx.msk [tilespmem:v42+s19+$0x0], $0xffff  }
0x14b: {  	v21 =	vld.idx.msk [tilespmem:v42+s18+$0x0], $0xffff;
	_ =	sdelay $0x1  }
0x14c: {  	v15 =	vsub.f32 v17, v15  }
0x14d: {  	v16 =	vsub.f32 v43, v16  }
0x14e: {  	v44 =	vsub.f32 v22, v20;
	[tilespmem:$0x3050] =	vst v15  }
0x14f: {  	v15 =	vsub.f32 v21, v19;
	[tilespmem:$0x3060] =	vst v16  }
0x150: {  	[tilespmem:$0x3080] =	vst v44  }
0x151: {  	[tilespmem:$0x3070] =	vst v15  }
0x152: {  	v15 =	vld.idx.msk [tilespmem:v1+s20+$0x0], $0xffff;
	_ =	sdelay $0x1  }
0x153: {  	v16 =	vld.idx.msk [tilespmem:v3+s20+$0x0], $0xffff;
	_ =	sdelay $0x1  }
0x154: {  	v45 =	vld.idx.msk [tilespmem:v4+s20+$0x0], $0xffff  }
0x155: {  	v15 =	vmul.f32 v15, v11  }
0x156: {  	v46 =	vld.idx.msk [tilespmem:v5+s20+$0x0], $0xffff  }
0x157: {  	v16 =	vmul.f32 v16, v12;
	v15 =	vadd.f32 v15, v10;
	_ =	sdelay $0x1  }
0x158: {  	v47 =	vmul.f32 v45, v13;
	v15 =	vadd.f32 v16, v15;
	_ =	sdelay $0x1  }
0x159: {  	v48 =	vmul.f32 v46, v14;
	v15 =	vadd.f32 v47, v15;
	_ =	sdelay $0x1  }
0x15a: {  	v15 =	vadd.f32 v48, v15  }
0x15b: {  	s25 =	sshll.u32 s25, $0x6  }
0x15c: {  	s25 =	sand.u32 $0x3FFFFFC0, s25;
	v15 =	vmax.f32 v15, $0.0e+00  }
0x15d: {  	[tilespmem:s25+$0x3090] =	vst v15  }
0x15e: {  	v15 =	vld.idx.msk [tilespmem:v6+s20+$0x0], $0xffff;
	_ =	sdelay $0x1  }
0x15f: {  	v49 =	vld.idx.msk [tilespmem:v7+s20+$0x0], $0xffff;
	_ =	sdelay $0x1  }
0x160: {  	v50 =	vld.idx.msk [tilespmem:v8+s20+$0x0], $0xffff  }
0x161: {  	v15 =	vmul.f32 v15, v11  }
0x162: {  	v51 =	vld.idx.msk [tilespmem:v9+s20+$0x0], $0xffff  }
0x163: {  	v16 =	vmul.f32 v49, v12;
	v15 =	vadd.f32 v15, v10;
	_ =	sdelay $0x1  }
0x164: {  	v52 =	vmul.f32 v50, v13;
	v15 =	vadd.f32 v16, v15;
	_ =	sdelay $0x1  }
0x165: {  	v53 =	vmul.f32 v51, v14;
	v15 =	vadd.f32 v52, v15;
	_ =	sdelay $0x1  }
0x166: {  	v15 =	vadd.f32 v53, v15;
	_ =	sdelay $0x1  }
0x167: {  	v15 =	vmax.f32 v15, $0.0e+00  }
0x168: {  	[tilespmem:s25+$0x30A0] =	vst v15  }
0x169: {  	v15 =	vld.idx.msk [tilespmem:v25+s20+$0x0], $0xffff;
	_ =	sdelay $0x1  }
0x16a: {  	v54 =	vld.idx.msk [tilespmem:v26+s20+$0x0], $0xffff;
	_ =	sdelay $0x1  }
0x16b: {  	v55 =	vld.idx.msk [tilespmem:v29+s20+$0x0], $0xffff  }
0x16c: {  	v15 =	vmul.f32 v15, v11  }
0x16d: {  	v56 =	vld.idx.msk [tilespmem:v30+s20+$0x0], $0xffff  }
0x16e: {  	v16 =	vmul.f32 v54, v12;
	v15 =	vadd.f32 v15, v10;
	_ =	sdelay $0x1  }
0x16f: {  	v57 =	vmul.f32 v55, v13;
	v15 =	vadd.f32 v16, v15;
	_ =	sdelay $0x1  }
0x170: {  	v58 =	vmul.f32 v56, v14;
	v15 =	vadd.f32 v57, v15;
	_ =	sdelay $0x1  }
0x171: {  	v15 =	vadd.f32 v58, v15;
	_ =	sdelay $0x1  }
0x172: {  	v15 =	vmax.f32 v15, $0.0e+00  }
0x173: {  	[tilespmem:s25+$0x30B0] =	vst v15  }
0x174: {  	v15 =	vld.idx.msk [tilespmem:v31+s20+$0x0], $0xffff;
	_ =	sdelay $0x1  }
0x175: {  	v59 =	vld.idx.msk [tilespmem:v32+s20+$0x0], $0xffff;
	_ =	sdelay $0x1  }
0x176: {  	v60 =	vld.idx.msk [tilespmem:v35+s20+$0x0], $0xffff  }
0x177: {  	v15 =	vmul.f32 v15, v11  }
0x178: {  	v61 =	vld.idx.msk [tilespmem:v36+s20+$0x0], $0xffff  }
0x179: {  	v16 =	vmul.f32 v59, v12;
	v15 =	vadd.f32 v15, v10;
	_ =	sdelay $0x1  }
0x17a: {  	v62 =	vmul.f32 v60, v13;
	v15 =	vadd.f32 v16, v15  }
0x17b: {  	s24 =	sadd.s32 $0x1, s24  }
0x17c: {  	p0 =	sne.s32 s24, $0xB;
	v63 =	vmul.f32 v61, v14;
	v15 =	vadd.f32 v62, v15  }
.Ltmp2:
0x17d: {  	_ = 	snop;
	(pc) =	sbr.rel @p0 .LBB2_4-.Ltmp2, $3  }
0x17e: {  	v15 =	vadd.f32 v63, v15;
	_ =	sdelay $0x1  }
0x17f: {  	v15 =	vmax.f32 v15, $0.0e+00  }
0x180: {  	[tilespmem:s25+$0x30C0] =	vst v15  }
0x181: {  	s22 =	sadd.s32 $0x1, s22  }
0x182: {  	p0 =	sne.s32 s22, s11  }
.Ltmp3:
0x183: {  	_ = 	snop;
	(pc) =	sbr.rel @p0 .LBB2_1-.Ltmp3, $4  }
0x184: {  	[hbm4b:s10+s2] =	stream.linear.scatter [tilespmem:s21], [sflag:$0x1], $0xB00, $0x38;
	[tilespmem:$0x3B90] =	vst v63  }
0x185: {  	_ =	swait.ge [sflag:s12], $0xB00  }
0x186: {  	[sflag:s12] =	ssyncset.done $0x0  }
0x187: {  	[sflag:s12] =	ssyncadd.s32 $0xFFFFF500  }
0x188: {  	_ =	sfence.sel $0x180000  }
0x189: {  	[bflag:$0x0] =	sbarrier.arrive $0xFFFF  }
0x18a: {  	p0 =	sne.s32 s1, $0x0;
	_ =	strace $0x90000047  }
0x18b: {  	s0 =	sadd.s32 @!p0 $0x100000, s0;
	[bflag:$0x2] =	sbarrier.arrive $0xFFFF  }
0x18c: {  	[sflag:s0] =	ssyncadd.tile.s32 @!p0 $0x1;
	_ =	shalt  }
.Lfunc_end2:
_tile_overlayer_lowered:
.L_overlay_start_2:
0x18d: {  	(tag) =	ssettag $0x2  }
0x18e: {  	s0 =	rddreg [dreg:$0x0];
	s2 =	stileid.u32  }
0x18f: {  	s1 =	rddreg [dreg:$0x1];
	p0 =	sne.s32 s2, $0x0  }
0x190: {  	s3 =	rddreg [dreg:$0x2];
	[bflag:$0x3] =	sbarrier.arrive $0xFFFF;
	s2 =	simm.s32 @!p0 $0x1C01  }
0x191: {  	[timem:s3], [sflag:s2] =	dma.local @!p0 [hbm:s0], s1  }
0x192: {  	s0 =	simm.s32 @!p0 $0x1  }
0x193: {  	_ =	swait.ge @!p0 [sflag:s0], s1  }
0x194: {  	s1 =	ssub.s32 @!p0 $0x0, s1;
	[sflag:s0] =	ssyncset.done @!p0 $0x0  }
0x195: {  	[sflag:s0] =	ssyncadd.s32 @!p0 s1  }
0x196: {  	[bflag:$0x3] =	sbarrier.arrive $0xFFFF  }
0x197: {  	_ =	shalt  }

</sc_bundles>
